<compile_context>
chip_gen: v7x
topology: tpu7x:2x2x1
jax: 0.10.2.dev20260603
libtpu: 0.0.44.dev20260713+nightly
codegen_flags: <defaults>
</compile_context>

<pallas_src>
import functools

import jax
import jax.numpy as jnp
from jax import lax
from jax.experimental import pallas as pl
from jax.experimental.pallas import tpu as pltpu
from jax.experimental.pallas import tpu_sc as plsc

_NUM_CLASS = 100000
_D = 512
_B = 1024
_DEPTH_M1 = 8
_SEQ = 77
_NC = 2
_NS = 16
_NW = _NC * _NS
_BPW = _B // _NW

_SC_MESH = plsc.VectorSubcoreMesh(core_axis_name="c", subcore_axis_name="s")


def _worker_base():
    wid = lax.axis_index("s") * _NC + lax.axis_index("c")
    return wid * _BPW


def _sc_gather_cls_body(tab_hbm, idx_hbm, out, idx_v, rows_v, sem):
    base = _worker_base()
    pltpu.sync_copy(idx_hbm.at[pl.ds(base, _BPW)], idx_v)
    pltpu.async_copy(tab_hbm.at[idx_v], rows_v, sem).wait()
    pltpu.sync_copy(rows_v, out.at[pl.ds(base, _BPW)])


_sc_gather_cls = functools.partial(
    pl.kernel,
    out_type=jax.ShapeDtypeStruct((_B, 1, _D), jnp.float32),
    mesh=_SC_MESH,
    scratch_types=[
        pltpu.VMEM((_BPW,), jnp.int32),
        pltpu.VMEM((_BPW, 1, _D), jnp.float32),
        pltpu.SemaphoreType.DMA,
    ],
)(_sc_gather_cls_body)


def _sc_gather_deep_body(tab_hbm, idx_hbm, *rest):
    outs = rest[:_DEPTH_M1]
    idx_v, rows_v, sem = rest[_DEPTH_M1:]
    base = _worker_base()
    for t in range(_DEPTH_M1):
        pltpu.sync_copy(idx_hbm.at[pl.ds(t * _B + base, _BPW)], idx_v)
        pltpu.async_copy(tab_hbm.at[idx_v], rows_v, sem).wait()
        pltpu.sync_copy(rows_v, outs[t].at[pl.ds(base, _BPW)])


_sc_gather_deep = functools.partial(
    pl.kernel,
    out_type=[jax.ShapeDtypeStruct((_B, 1, _D), jnp.float32)
              for _ in range(_DEPTH_M1)],
    mesh=_SC_MESH,
    scratch_types=[
        pltpu.VMEM((_BPW,), jnp.int32),
        pltpu.VMEM((_BPW, 1, _D), jnp.float32),
        pltpu.SemaphoreType.DMA,
    ],
)(_sc_gather_deep_body)


_RPB = 7


def _tc_assemble_body(r_ref, g_ref, o_ref):
    i = pl.program_id(0)
    for r in range(_RPB):
        s = i * _RPB + r

        @pl.when(s == 7)
        def _():
            o_ref[r] = g_ref[:, 0, :]

        @pl.when(s != 7)
        def _():
            o_ref[r] = jnp.broadcast_to(r_ref[r, 0], (_B, _D))


def _tc_assemble(rows, g):
    return pl.pallas_call(
        _tc_assemble_body,
        grid=(_SEQ // _RPB,),
        in_specs=[
            pl.BlockSpec((_RPB, 1, _D), lambda i: (i, 0, 0)),
            pl.BlockSpec((_B, 1, _D), lambda i: (0, 0, 0)),
        ],
        out_specs=pl.BlockSpec((_RPB, _B, _D), lambda i: (i, 0, 0)),
        out_shape=jax.ShapeDtypeStruct((_SEQ, _B, _D), jnp.float32),
    )(rows, g)


def kernel(cls_ctx_per_id, cls_vector, compound_prompts_text,
           compound_per_id_prompts_text, token_prefix, token_suffix, label):
    deep_flat = compound_per_id_prompts_text.reshape(
        _DEPTH_M1 * _NUM_CLASS, 1, _D)
    lbl = label.astype(jnp.int32)
    offs = jnp.arange(_DEPTH_M1, dtype=jnp.int32) * _NUM_CLASS
    idx_deep = (offs[:, None] + lbl[None, :]).reshape(-1)

    g_cls = _sc_gather_cls(cls_ctx_per_id, lbl)
    g_deep = _sc_gather_deep(deep_flat, idx_deep)

    rows = jnp.concatenate(
        [token_prefix[0], cls_vector, cls_vector[:1], token_suffix[0]],
        axis=0).reshape(_SEQ, 1, _D)

    prompts = _tc_assemble(rows, g_cls).transpose(1, 0, 2)

    compound_prompts = tuple(compound_prompts_text[i] for i in range(_DEPTH_M1))
    return (prompts, compound_prompts, tuple(g_deep))

# --- scband reference (transcript-rebuilt; emitter-appended) ---
"""Pipeline reference for scband-maple-prompt-learner-55576876810387 (READ-ONLY COPY).

The authoritative reference and input builder live on the scoring server;
editing this copy changes nothing except your own understanding.
"""

import jax, jax.numpy as jnp
import numpy as np

NUM_CLASS = 100000
CTX_DIM = 512
N_CTX = 4
N_CLS_CTX = 2
N_CLS_CTX_PER_ID = 1
DEPTH = 9
SEQ = 77
B = 1024


def setup_inputs(seed: int = 0):
    key = jax.random.key(seed)
    ks = jax.random.split(key, 8)
    cls_ctx_per_id = 0.02 * jax.random.normal(ks[0], (NUM_CLASS, N_CLS_CTX_PER_ID, CTX_DIM), dtype=jnp.float32)
    cls_vector = 0.02 * jax.random.normal(ks[1], (N_CLS_CTX, CTX_DIM), dtype=jnp.float32)
    compound_prompts_text = 0.02 * jax.random.normal(ks[2], (DEPTH - 1, N_CLS_CTX, CTX_DIM), dtype=jnp.float32)
    compound_per_id_prompts_text = 0.02 * jax.random.normal(ks[3], (DEPTH - 1, NUM_CLASS, N_CLS_CTX_PER_ID, CTX_DIM), dtype=jnp.float32)
    token_prefix = jax.random.normal(ks[4], (1, N_CTX + 1, CTX_DIM), dtype=jnp.float32)
    n_suffix = SEQ - (N_CTX + 1 + N_CLS_CTX + N_CLS_CTX_PER_ID)
    token_suffix = jax.random.normal(ks[5], (1, n_suffix, CTX_DIM), dtype=jnp.float32)
    label = jax.random.randint(ks[6], (B,), 0, NUM_CLASS)
    return {
        'cls_ctx_per_id': cls_ctx_per_id,
        'cls_vector': cls_vector,
        'compound_prompts_text': compound_prompts_text,
        'compound_per_id_prompts_text': compound_per_id_prompts_text,
        'token_prefix': token_prefix,
        'token_suffix': token_suffix,
        'label': label,
    }


def reference(cls_ctx_per_id, cls_vector, compound_prompts_text, compound_per_id_prompts_text, token_prefix, token_suffix, label):
    b = label.shape[0]
    # per-id class context: embedding gather over 100k-row table
    cc_per_id = jnp.take(cls_ctx_per_id, label, axis=0)  # [B, 1, 512]
    # shared class vector, expanded over batch
    cv = jnp.broadcast_to(cls_vector[None, :, :], (b, N_CLS_CTX, CTX_DIM))  # [B, 2, 512]
    prefix = jnp.broadcast_to(token_prefix, (b, token_prefix.shape[1], CTX_DIM))  # [B, 5, 512]
    suffix = jnp.broadcast_to(token_suffix, (b, token_suffix.shape[1], CTX_DIM))  # [B, 69, 512]
    prompts = jnp.concatenate([prefix, cv, cc_per_id, suffix], axis=1)  # [B, 77, 512]
    # TeD branch: deep per-id prompts gathered by label; shared deep prompts passed through
    text_deep_per_id_prompts = tuple(jnp.take(compound_per_id_prompts_text[i], label, axis=0) for i in range(DEPTH - 1))
    compound_prompts = tuple(compound_prompts_text[i] for i in range(DEPTH - 1))
    return (prompts, compound_prompts, text_deep_per_id_prompts)

if __name__ == "__main__":
    import jax
    _d = setup_inputs()
    print(jax.jit(kernel)(*tuple(_d.values())))

</pallas_src>

<mosaic_0001>
#map = affine_map<(d0, d1) -> (0, 0, 0)>
#map1 = affine_map<(d0, d1) -> (0)>
module attributes {stable_mosaic.version = 14 : i64} {
  func.func @_sc_gather_cls_body(%arg0: i32, %arg1: i32, %arg2: memref<100000x1x512xf32, #tpu.memory_space<hbm>>, %arg3: memref<1024xi32, #tpu.memory_space<hbm>>, %arg4: memref<1024x1x512xf32, #tpu.memory_space<hbm>>, %arg5: memref<32xi32, #tpu.memory_space<vmem>>, %arg6: memref<32x1x512xf32, #tpu.memory_space<vmem>>, %arg7: memref<!tpu.dma_semaphore, #tpu.memory_space<semaphore_mem>>) attributes {dimension_semantics = [#tpu.dimension_semantics<core_parallel>, #tpu.dimension_semantics<subcore_parallel>], iteration_bounds = array<i64: 2, 16>, scalar_prefetch = 0 : i64, scratch_operands = 3 : i64, tpu.core_type = #tpu.core_type<sc_vector_subcore>, window_params = [{transform_indices = #map}, {transform_indices = #map1}, {transform_indices = #map}]} {
    %mul3A = arith.constant 2 : i32
    %mul3A_0 = arith.muli %arg1, %mul3A : i32
    %add3A = arith.addi %mul3A_0, %arg0 : i32
    %mul3A_1 = arith.constant 32 : i32
    %mul3A_2 = arith.muli %add3A, %mul3A_1 : i32
    "tpu.region"() ({
      %run_scoped3A = tpu.sem_alloc : memref<!tpu.dma_semaphore, #tpu.memory_space<semaphore_mem>>
      %dma_start3A_9 = tpu.memref_slice %arg3[%mul3A_2] : memref<1024xi32, #tpu.memory_space<hbm>> -> memref<32xi32, #tpu.memory_space<hbm>>
      %dma_start3A_10 = tpu.memref_slice %arg3[%mul3A_2] : memref<1024xi32, #tpu.memory_space<hbm>> -> memref<32xi32, #tpu.memory_space<hbm>>
      tpu.enqueue_dma source(%dma_start3A_10 : memref<32xi32, #tpu.memory_space<hbm>>) target(%arg5 : memref<32xi32, #tpu.memory_space<vmem>>) target_semaphore(%run_scoped3A : memref<!tpu.dma_semaphore, #tpu.memory_space<semaphore_mem>>)
      %dma_wait3A_11 = tpu.memref_slice %arg3[%mul3A_2] : memref<1024xi32, #tpu.memory_space<hbm>> -> memref<32xi32, #tpu.memory_space<hbm>>
      %dma_wait3A_12 = tpu.memref_slice %arg3[%mul3A_2] : memref<1024xi32, #tpu.memory_space<hbm>> -> memref<32xi32, #tpu.memory_space<hbm>>
      tpu.wait_dma2 semaphore(%run_scoped3A : memref<!tpu.dma_semaphore, #tpu.memory_space<semaphore_mem>>) src(%dma_wait3A_12 : memref<32xi32, #tpu.memory_space<hbm>>) dst(%arg5 : memref<32xi32, #tpu.memory_space<vmem>>)
      tpu.yield
    }) : () -> ()
    %dma_start3A = arith.constant 0 : i32
    %dma_start3A_3 = arith.constant 0 : i32
    %dma_start3A_4 = arith.constant 0 : i32
    %dma_start3A_5 = tpu.memref_slice %arg2[%dma_start3A, %dma_start3A_3, %dma_start3A_4] : memref<100000x1x512xf32, #tpu.memory_space<hbm>> -> memref<100000x1x512xf32, #tpu.memory_space<hbm>>
    tpu.enqueue_indirect_dma source(%dma_start3A_5 : memref<100000x1x512xf32, #tpu.memory_space<hbm>>) target(%arg6 : memref<32x1x512xf32, #tpu.memory_space<vmem>>) offsets(%arg5 : memref<32xi32, #tpu.memory_space<vmem>>) semaphore(%arg7 : memref<!tpu.dma_semaphore, #tpu.memory_space<semaphore_mem>>)
    %dma_wait3A = arith.constant 0 : i32
    %dma_wait3A_6 = arith.constant 0 : i32
    %dma_wait3A_7 = arith.constant 0 : i32
    %dma_wait3A_8 = tpu.memref_slice %arg2[%dma_wait3A, %dma_wait3A_6, %dma_wait3A_7] : memref<100000x1x512xf32, #tpu.memory_space<hbm>> -> memref<100000x1x512xf32, #tpu.memory_space<hbm>>
    tpu.wait_indirect_dma semaphore(%arg7 : memref<!tpu.dma_semaphore, #tpu.memory_space<semaphore_mem>>) src(%dma_wait3A_8 : memref<100000x1x512xf32, #tpu.memory_space<hbm>>) dst(%arg6 : memref<32x1x512xf32, #tpu.memory_space<vmem>>)
    "tpu.region"() ({
      %run_scoped3A = tpu.sem_alloc : memref<!tpu.dma_semaphore, #tpu.memory_space<semaphore_mem>>
      %dma_start3A_9 = arith.constant 0 : i32
      %dma_start3A_10 = arith.constant 0 : i32
      %dma_start3A_11 = tpu.memref_slice %arg4[%mul3A_2, %dma_start3A_9, %dma_start3A_10] : memref<1024x1x512xf32, #tpu.memory_space<hbm>> -> memref<32x1x512xf32, #tpu.memory_space<hbm>>
      %dma_start3A_12 = arith.constant 0 : i32
      %dma_start3A_13 = arith.constant 0 : i32
      %dma_start3A_14 = tpu.memref_slice %arg4[%mul3A_2, %dma_start3A_12, %dma_start3A_13] : memref<1024x1x512xf32, #tpu.memory_space<hbm>> -> memref<32x1x512xf32, #tpu.memory_space<hbm>>
      tpu.enqueue_dma source(%arg6 : memref<32x1x512xf32, #tpu.memory_space<vmem>>) target(%dma_start3A_14 : memref<32x1x512xf32, #tpu.memory_space<hbm>>) target_semaphore(%run_scoped3A : memref<!tpu.dma_semaphore, #tpu.memory_space<semaphore_mem>>)
      %dma_wait3A_15 = arith.constant 0 : i32
      %dma_wait3A_16 = arith.constant 0 : i32
      %dma_wait3A_17 = tpu.memref_slice %arg4[%mul3A_2, %dma_wait3A_15, %dma_wait3A_16] : memref<1024x1x512xf32, #tpu.memory_space<hbm>> -> memref<32x1x512xf32, #tpu.memory_space<hbm>>
      %dma_wait3A_18 = arith.constant 0 : i32
      %dma_wait3A_19 = arith.constant 0 : i32
      %dma_wait3A_20 = tpu.memref_slice %arg4[%mul3A_2, %dma_wait3A_18, %dma_wait3A_19] : memref<1024x1x512xf32, #tpu.memory_space<hbm>> -> memref<32x1x512xf32, #tpu.memory_space<hbm>>
      tpu.wait_dma2 semaphore(%run_scoped3A : memref<!tpu.dma_semaphore, #tpu.memory_space<semaphore_mem>>) src(%arg6 : memref<32x1x512xf32, #tpu.memory_space<vmem>>) dst(%dma_wait3A_20 : memref<32x1x512xf32, #tpu.memory_space<hbm>>)
      tpu.yield
    }) : () -> ()
    return
  }
}

#map = affine_map<(d0, d1) -> (0, 0, 0)>
#map1 = affine_map<(d0, d1) -> (0)>
module attributes {stable_mosaic.version = 14 : i64} {
  func.func @_sc_gather_deep_body(%arg0: i32, %arg1: i32, %arg2: memref<800000x1x512xf32, #tpu.memory_space<hbm>>, %arg3: memref<8192xi32, #tpu.memory_space<hbm>>, %arg4: memref<1024x1x512xf32, #tpu.memory_space<hbm>>, %arg5: memref<1024x1x512xf32, #tpu.memory_space<hbm>>, %arg6: memref<1024x1x512xf32, #tpu.memory_space<hbm>>, %arg7: memref<1024x1x512xf32, #tpu.memory_space<hbm>>, %arg8: memref<1024x1x512xf32, #tpu.memory_space<hbm>>, %arg9: memref<1024x1x512xf32, #tpu.memory_space<hbm>>, %arg10: memref<1024x1x512xf32, #tpu.memory_space<hbm>>, %arg11: memref<1024x1x512xf32, #tpu.memory_space<hbm>>, %arg12: memref<32xi32, #tpu.memory_space<vmem>>, %arg13: memref<32x1x512xf32, #tpu.memory_space<vmem>>, %arg14: memref<!tpu.dma_semaphore, #tpu.memory_space<semaphore_mem>>) attributes {dimension_semantics = [#tpu.dimension_semantics<core_parallel>, #tpu.dimension_semantics<subcore_parallel>], iteration_bounds = array<i64: 2, 16>, scalar_prefetch = 0 : i64, scratch_operands = 3 : i64, tpu.core_type = #tpu.core_type<sc_vector_subcore>, window_params = [{transform_indices = #map}, {transform_indices = #map1}, {transform_indices = #map}, {transform_indices = #map}, {transform_indices = #map}, {transform_indices = #map}, {transform_indices = #map}, {transform_indices = #map}, {transform_indices = #map}, {transform_indices = #map}]} {
    %mul3A = arith.constant 2 : i32
    %mul3A_0 = arith.muli %arg1, %mul3A : i32
    %add3A = arith.addi %mul3A_0, %arg0 : i32
    %mul3A_1 = arith.constant 32 : i32
    %mul3A_2 = arith.muli %add3A, %mul3A_1 : i32
    %add3A_3 = arith.constant 0 : i32
    %add3A_4 = arith.addi %add3A_3, %mul3A_2 : i32
    "tpu.region"() ({
      %run_scoped3A = tpu.sem_alloc : memref<!tpu.dma_semaphore, #tpu.memory_space<semaphore_mem>>
      %dma_start3A_81 = tpu.memref_slice %arg3[%add3A_4] : memref<8192xi32, #tpu.memory_space<hbm>> -> memref<32xi32, #tpu.memory_space<hbm>>
      %dma_start3A_82 = tpu.memref_slice %arg3[%add3A_4] : memref<8192xi32, #tpu.memory_space<hbm>> -> memref<32xi32, #tpu.memory_space<hbm>>
      tpu.enqueue_dma source(%dma_start3A_82 : memref<32xi32, #tpu.memory_space<hbm>>) target(%arg12 : memref<32xi32, #tpu.memory_space<vmem>>) target_semaphore(%run_scoped3A : memref<!tpu.dma_semaphore, #tpu.memory_space<semaphore_mem>>)
      %dma_wait3A_83 = tpu.memref_slice %arg3[%add3A_4] : memref<8192xi32, #tpu.memory_space<hbm>> -> memref<32xi32, #tpu.memory_space<hbm>>
      %dma_wait3A_84 = tpu.memref_slice %arg3[%add3A_4] : memref<8192xi32, #tpu.memory_space<hbm>> -> memref<32xi32, #tpu.memory_space<hbm>>
      tpu.wait_dma2 semaphore(%run_scoped3A : memref<!tpu.dma_semaphore, #tpu.memory_space<semaphore_mem>>) src(%dma_wait3A_84 : memref<32xi32, #tpu.memory_space<hbm>>) dst(%arg12 : memref<32xi32, #tpu.memory_space<vmem>>)
      tpu.yield
    }) : () -> ()
    %dma_start3A = arith.constant 0 : i32
    %dma_start3A_5 = arith.constant 0 : i32
    %dma_start3A_6 = arith.constant 0 : i32
    %dma_start3A_7 = tpu.memref_slice %arg2[%dma_start3A, %dma_start3A_5, %dma_start3A_6] : memref<800000x1x512xf32, #tpu.memory_space<hbm>> -> memref<800000x1x512xf32, #tpu.memory_space<hbm>>
    tpu.enqueue_indirect_dma source(%dma_start3A_7 : memref<800000x1x512xf32, #tpu.memory_space<hbm>>) target(%arg13 : memref<32x1x512xf32, #tpu.memory_space<vmem>>) offsets(%arg12 : memref<32xi32, #tpu.memory_space<vmem>>) semaphore(%arg14 : memref<!tpu.dma_semaphore, #tpu.memory_space<semaphore_mem>>)
    %dma_wait3A = arith.constant 0 : i32
    %dma_wait3A_8 = arith.constant 0 : i32
    %dma_wait3A_9 = arith.constant 0 : i32
    %dma_wait3A_10 = tpu.memref_slice %arg2[%dma_wait3A, %dma_wait3A_8, %dma_wait3A_9] : memref<800000x1x512xf32, #tpu.memory_space<hbm>> -> memref<800000x1x512xf32, #tpu.memory_space<hbm>>
    tpu.wait_indirect_dma semaphore(%arg14 : memref<!tpu.dma_semaphore, #tpu.memory_space<semaphore_mem>>) src(%dma_wait3A_10 : memref<800000x1x512xf32, #tpu.memory_space<hbm>>) dst(%arg13 : memref<32x1x512xf32, #tpu.memory_space<vmem>>)
    "tpu.region"() ({
      %run_scoped3A = tpu.sem_alloc : memref<!tpu.dma_semaphore, #tpu.memory_space<semaphore_mem>>
      %dma_start3A_81 = arith.constant 0 : i32
      %dma_start3A_82 = arith.constant 0 : i32
      %dma_start3A_83 = tpu.memref_slice %arg4[%mul3A_2, %dma_start3A_81, %dma_start3A_82] : memref<1024x1x512xf32, #tpu.memory_space<hbm>> -> memref<32x1x512xf32, #tpu.memory_space<hbm>>
      %dma_start3A_84 = arith.constant 0 : i32
      %dma_start3A_85 = arith.constant 0 : i32
      %dma_start3A_86 = tpu.memref_slice %arg4[%mul3A_2, %dma_start3A_84, %dma_start3A_85] : memref<1024x1x512xf32, #tpu.memory_space<hbm>> -> memref<32x1x512xf32, #tpu.memory_space<hbm>>
      tpu.enqueue_dma source(%arg13 : memref<32x1x512xf32, #tpu.memory_space<vmem>>) target(%dma_start3A_86 : memref<32x1x512xf32, #tpu.memory_space<hbm>>) target_semaphore(%run_scoped3A : memref<!tpu.dma_semaphore, #tpu.memory_space<semaphore_mem>>)
      %dma_wait3A_87 = arith.constant 0 : i32
      %dma_wait3A_88 = arith.constant 0 : i32
      %dma_wait3A_89 = tpu.memref_slice %arg4[%mul3A_2, %dma_wait3A_87, %dma_wait3A_88] : memref<1024x1x512xf32, #tpu.memory_space<hbm>> -> memref<32x1x512xf32, #tpu.memory_space<hbm>>
      %dma_wait3A_90 = arith.constant 0 : i32
      %dma_wait3A_91 = arith.constant 0 : i32
      %dma_wait3A_92 = tpu.memref_slice %arg4[%mul3A_2, %dma_wait3A_90, %dma_wait3A_91] : memref<1024x1x512xf32, #tpu.memory_space<hbm>> -> memref<32x1x512xf32, #tpu.memory_space<hbm>>
      tpu.wait_dma2 semaphore(%run_scoped3A : memref<!tpu.dma_semaphore, #tpu.memory_space<semaphore_mem>>) src(%arg13 : memref<32x1x512xf32, #tpu.memory_space<vmem>>) dst(%dma_wait3A_92 : memref<32x1x512xf32, #tpu.memory_space<hbm>>)
      tpu.yield
    }) : () -> ()
    %add3A_11 = arith.constant 1024 : i32
    %add3A_12 = arith.addi %add3A_11, %mul3A_2 : i32
    "tpu.region"() ({
      %run_scoped3A = tpu.sem_alloc : memref<!tpu.dma_semaphore, #tpu.memory_space<semaphore_mem>>
      %dma_start3A_81 = tpu.memref_slice %arg3[%add3A_12] : memref<8192xi32, #tpu.memory_space<hbm>> -> memref<32xi32, #tpu.memory_space<hbm>>
      %dma_start3A_82 = tpu.memref_slice %arg3[%add3A_12] : memref<8192xi32, #tpu.memory_space<hbm>> -> memref<32xi32, #tpu.memory_space<hbm>>
      tpu.enqueue_dma source(%dma_start3A_82 : memref<32xi32, #tpu.memory_space<hbm>>) target(%arg12 : memref<32xi32, #tpu.memory_space<vmem>>) target_semaphore(%run_scoped3A : memref<!tpu.dma_semaphore, #tpu.memory_space<semaphore_mem>>)
      %dma_wait3A_83 = tpu.memref_slice %arg3[%add3A_12] : memref<8192xi32, #tpu.memory_space<hbm>> -> memref<32xi32, #tpu.memory_space<hbm>>
      %dma_wait3A_84 = tpu.memref_slice %arg3[%add3A_12] : memref<8192xi32, #tpu.memory_space<hbm>> -> memref<32xi32, #tpu.memory_space<hbm>>
      tpu.wait_dma2 semaphore(%run_scoped3A : memref<!tpu.dma_semaphore, #tpu.memory_space<semaphore_mem>>) src(%dma_wait3A_84 : memref<32xi32, #tpu.memory_space<hbm>>) dst(%arg12 : memref<32xi32, #tpu.memory_space<vmem>>)
      tpu.yield
    }) : () -> ()
    %dma_start3A_13 = arith.constant 0 : i32
    %dma_start3A_14 = arith.constant 0 : i32
    %dma_start3A_15 = arith.constant 0 : i32
    %dma_start3A_16 = tpu.memref_slice %arg2[%dma_start3A_13, %dma_start3A_14, %dma_start3A_15] : memref<800000x1x512xf32, #tpu.memory_space<hbm>> -> memref<800000x1x512xf32, #tpu.memory_space<hbm>>
    tpu.enqueue_indirect_dma source(%dma_start3A_16 : memref<800000x1x512xf32, #tpu.memory_space<hbm>>) target(%arg13 : memref<32x1x512xf32, #tpu.memory_space<vmem>>) offsets(%arg12 : memref<32xi32, #tpu.memory_space<vmem>>) semaphore(%arg14 : memref<!tpu.dma_semaphore, #tpu.memory_space<semaphore_mem>>)
    %dma_wait3A_17 = arith.constant 0 : i32
    %dma_wait3A_18 = arith.constant 0 : i32
    %dma_wait3A_19 = arith.constant 0 : i32
    %dma_wait3A_20 = tpu.memref_slice %arg2[%dma_wait3A_17, %dma_wait3A_18, %dma_wait3A_19] : memref<800000x1x512xf32, #tpu.memory_space<hbm>> -> memref<800000x1x512xf32, #tpu.memory_space<hbm>>
    tpu.wait_indirect_dma semaphore(%arg14 : memref<!tpu.dma_semaphore, #tpu.memory_space<semaphore_mem>>) src(%dma_wait3A_20 : memref<800000x1x512xf32, #tpu.memory_space<hbm>>) dst(%arg13 : memref<32x1x512xf32, #tpu.memory_space<vmem>>)
    "tpu.region"() ({
      %run_scoped3A = tpu.sem_alloc : memref<!tpu.dma_semaphore, #tpu.memory_space<semaphore_mem>>
      %dma_start3A_81 = arith.constant 0 : i32
      %dma_start3A_82 = arith.constant 0 : i32
      %dma_start3A_83 = tpu.memref_slice %arg5[%mul3A_2, %dma_start3A_81, %dma_start3A_82] : memref<1024x1x512xf32, #tpu.memory_space<hbm>> -> memref<32x1x512xf32, #tpu.memory_space<hbm>>
      %dma_start3A_84 = arith.constant 0 : i32
      %dma_start3A_85 = arith.constant 0 : i32
      %dma_start3A_86 = tpu.memref_slice %arg5[%mul3A_2, %dma_start3A_84, %dma_start3A_85] : memref<1024x1x512xf32, #tpu.memory_space<hbm>> -> memref<32x1x512xf32, #tpu.memory_space<hbm>>
      tpu.enqueue_dma source(%arg13 : memref<32x1x512xf32, #tpu.memory_space<vmem>>) target(%dma_start3A_86 : memref<32x1x512xf32, #tpu.memory_space<hbm>>) target_semaphore(%run_scoped3A : memref<!tpu.dma_semaphore, #tpu.memory_space<semaphore_mem>>)
      %dma_wait3A_87 = arith.constant 0 : i32
      %dma_wait3A_88 = arith.constant 0 : i32
      %dma_wait3A_89 = tpu.memref_slice %arg5[%mul3A_2, %dma_wait3A_87, %dma_wait3A_88] : memref<1024x1x512xf32, #tpu.memory_space<hbm>> -> memref<32x1x512xf32, #tpu.memory_space<hbm>>
      %dma_wait3A_90 = arith.constant 0 : i32
      %dma_wait3A_91 = arith.constant 0 : i32
      %dma_wait3A_92 = tpu.memref_slice %arg5[%mul3A_2, %dma_wait3A_90, %dma_wait3A_91] : memref<1024x1x512xf32, #tpu.memory_space<hbm>> -> memref<32x1x512xf32, #tpu.memory_space<hbm>>
      tpu.wait_dma2 semaphore(%run_scoped3A : memref<!tpu.dma_semaphore, #tpu.memory_space<semaphore_mem>>) src(%arg13 : memref<32x1x512xf32, #tpu.memory_space<vmem>>) dst(%dma_wait3A_92 : memref<32x1x512xf32, #tpu.memory_space<hbm>>)
      tpu.yield
    }) : () -> ()
    %add3A_21 = arith.constant 2048 : i32
    %add3A_22 = arith.addi %add3A_21, %mul3A_2 : i32
    "tpu.region"() ({
      %run_scoped3A = tpu.sem_alloc : memref<!tpu.dma_semaphore, #tpu.memory_space<semaphore_mem>>
      %dma_start3A_81 = tpu.memref_slice %arg3[%add3A_22] : memref<8192xi32, #tpu.memory_space<hbm>> -> memref<32xi32, #tpu.memory_space<hbm>>
      %dma_start3A_82 = tpu.memref_slice %arg3[%add3A_22] : memref<8192xi32, #tpu.memory_space<hbm>> -> memref<32xi32, #tpu.memory_space<hbm>>
      tpu.enqueue_dma source(%dma_start3A_82 : memref<32xi32, #tpu.memory_space<hbm>>) target(%arg12 : memref<32xi32, #tpu.memory_space<vmem>>) target_semaphore(%run_scoped3A : memref<!tpu.dma_semaphore, #tpu.memory_space<semaphore_mem>>)
      %dma_wait3A_83 = tpu.memref_slice %arg3[%add3A_22] : memref<8192xi32, #tpu.memory_space<hbm>> -> memref<32xi32, #tpu.memory_space<hbm>>
      %dma_wait3A_84 = tpu.memref_slice %arg3[%add3A_22] : memref<8192xi32, #tpu.memory_space<hbm>> -> memref<32xi32, #tpu.memory_space<hbm>>
      tpu.wait_dma2 semaphore(%run_scoped3A : memref<!tpu.dma_semaphore, #tpu.memory_space<semaphore_mem>>) src(%dma_wait3A_84 : memref<32xi32, #tpu.memory_space<hbm>>) dst(%arg12 : memref<32xi32, #tpu.memory_space<vmem>>)
      tpu.yield
    }) : () -> ()
    %dma_start3A_23 = arith.constant 0 : i32
    %dma_start3A_24 = arith.constant 0 : i32
    %dma_start3A_25 = arith.constant 0 : i32
    %dma_start3A_26 = tpu.memref_slice %arg2[%dma_start3A_23, %dma_start3A_24, %dma_start3A_25] : memref<800000x1x512xf32, #tpu.memory_space<hbm>> -> memref<800000x1x512xf32, #tpu.memory_space<hbm>>
    tpu.enqueue_indirect_dma source(%dma_start3A_26 : memref<800000x1x512xf32, #tpu.memory_space<hbm>>) target(%arg13 : memref<32x1x512xf32, #tpu.memory_space<vmem>>) offsets(%arg12 : memref<32xi32, #tpu.memory_space<vmem>>) semaphore(%arg14 : memref<!tpu.dma_semaphore, #tpu.memory_space<semaphore_mem>>)
    %dma_wait3A_27 = arith.constant 0 : i32
    %dma_wait3A_28 = arith.constant 0 : i32
    %dma_wait3A_29 = arith.constant 0 : i32
    %dma_wait3A_30 = tpu.memref_slice %arg2[%dma_wait3A_27, %dma_wait3A_28, %dma_wait3A_29] : memref<800000x1x512xf32, #tpu.memory_space<hbm>> -> memref<800000x1x512xf32, #tpu.memory_space<hbm>>
    tpu.wait_indirect_dma semaphore(%arg14 : memref<!tpu.dma_semaphore, #tpu.memory_space<semaphore_mem>>) src(%dma_wait3A_30 : memref<800000x1x512xf32, #tpu.memory_space<hbm>>) dst(%arg13 : memref<32x1x512xf32, #tpu.memory_space<vmem>>)
    "tpu.region"() ({
      %run_scoped3A = tpu.sem_alloc : memref<!tpu.dma_semaphore, #tpu.memory_space<semaphore_mem>>
      %dma_start3A_81 = arith.constant 0 : i32
      %dma_start3A_82 = arith.constant 0 : i32
      %dma_start3A_83 = tpu.memref_slice %arg6[%mul3A_2, %dma_start3A_81, %dma_start3A_82] : memref<1024x1x512xf32, #tpu.memory_space<hbm>> -> memref<32x1x512xf32, #tpu.memory_space<hbm>>
      %dma_start3A_84 = arith.constant 0 : i32
      %dma_start3A_85 = arith.constant 0 : i32
      %dma_start3A_86 = tpu.memref_slice %arg6[%mul3A_2, %dma_start3A_84, %dma_start3A_85] : memref<1024x1x512xf32, #tpu.memory_space<hbm>> -> memref<32x1x512xf32, #tpu.memory_space<hbm>>
      tpu.enqueue_dma source(%arg13 : memref<32x1x512xf32, #tpu.memory_space<vmem>>) target(%dma_start3A_86 : memref<32x1x512xf32, #tpu.memory_space<hbm>>) target_semaphore(%run_scoped3A : memref<!tpu.dma_semaphore, #tpu.memory_space<semaphore_mem>>)
      %dma_wait3A_87 = arith.constant 0 : i32
      %dma_wait3A_88 = arith.constant 0 : i32
      %dma_wait3A_89 = tpu.memref_slice %arg6[%mul3A_2, %dma_wait3A_87, %dma_wait3A_88] : memref<1024x1x512xf32, #tpu.memory_space<hbm>> -> memref<32x1x512xf32, #tpu.memory_space<hbm>>
      %dma_wait3A_90 = arith.constant 0 : i32
      %dma_wait3A_91 = arith.constant 0 : i32
      %dma_wait3A_92 = tpu.memref_slice %arg6[%mul3A_2, %dma_wait3A_90, %dma_wait3A_91] : memref<1024x1x512xf32, #tpu.memory_space<hbm>> -> memref<32x1x512xf32, #tpu.memory_space<hbm>>
      tpu.wait_dma2 semaphore(%run_scoped3A : memref<!tpu.dma_semaphore, #tpu.memory_space<semaphore_mem>>) src(%arg13 : memref<32x1x512xf32, #tpu.memory_space<vmem>>) dst(%dma_wait3A_92 : memref<32x1x512xf32, #tpu.memory_space<hbm>>)
      tpu.yield
    }) : () -> ()
    %add3A_31 = arith.constant 3072 : i32
    %add3A_32 = arith.addi %add3A_31, %mul3A_2 : i32
    "tpu.region"() ({
      %run_scoped3A = tpu.sem_alloc : memref<!tpu.dma_semaphore, #tpu.memory_space<semaphore_mem>>
      %dma_start3A_81 = tpu.memref_slice %arg3[%add3A_32] : memref<8192xi32, #tpu.memory_space<hbm>> -> memref<32xi32, #tpu.memory_space<hbm>>
      %dma_start3A_82 = tpu.memref_slice %arg3[%add3A_32] : memref<8192xi32, #tpu.memory_space<hbm>> -> memref<32xi32, #tpu.memory_space<hbm>>
      tpu.enqueue_dma source(%dma_start3A_82 : memref<32xi32, #tpu.memory_space<hbm>>) target(%arg12 : memref<32xi32, #tpu.memory_space<vmem>>) target_semaphore(%run_scoped3A : memref<!tpu.dma_semaphore, #tpu.memory_space<semaphore_mem>>)
      %dma_wait3A_83 = tpu.memref_slice %arg3[%add3A_32] : memref<8192xi32, #tpu.memory_space<hbm>> -> memref<32xi32, #tpu.memory_space<hbm>>
      %dma_wait3A_84 = tpu.memref_slice %arg3[%add3A_32] : memref<8192xi32, #tpu.memory_space<hbm>> -> memref<32xi32, #tpu.memory_space<hbm>>
      tpu.wait_dma2 semaphore(%run_scoped3A : memref<!tpu.dma_semaphore, #tpu.memory_space<semaphore_mem>>) src(%dma_wait3A_84 : memref<32xi32, #tpu.memory_space<hbm>>) dst(%arg12 : memref<32xi32, #tpu.memory_space<vmem>>)
      tpu.yield
    }) : () -> ()
    %dma_start3A_33 = arith.constant 0 : i32
    %dma_start3A_34 = arith.constant 0 : i32
    %dma_start3A_35 = arith.constant 0 : i32
    %dma_start3A_36 = tpu.memref_slice %arg2[%dma_start3A_33, %dma_start3A_34, %dma_start3A_35] : memref<800000x1x512xf32, #tpu.memory_space<hbm>> -> memref<800000x1x512xf32, #tpu.memory_space<hbm>>
    tpu.enqueue_indirect_dma source(%dma_start3A_36 : memref<800000x1x512xf32, #tpu.memory_space<hbm>>) target(%arg13 : memref<32x1x512xf32, #tpu.memory_space<vmem>>) offsets(%arg12 : memref<32xi32, #tpu.memory_space<vmem>>) semaphore(%arg14 : memref<!tpu.dma_semaphore, #tpu.memory_space<semaphore_mem>>)
    %dma_wait3A_37 = arith.constant 0 : i32
    %dma_wait3A_38 = arith.constant 0 : i32
    %dma_wait3A_39 = arith.constant 0 : i32
    %dma_wait3A_40 = tpu.memref_slice %arg2[%dma_wait3A_37, %dma_wait3A_38, %dma_wait3A_39] : memref<800000x1x512xf32, #tpu.memory_space<hbm>> -> memref<800000x1x512xf32, #tpu.memory_space<hbm>>
    tpu.wait_indirect_dma semaphore(%arg14 : memref<!tpu.dma_semaphore, #tpu.memory_space<semaphore_mem>>) src(%dma_wait3A_40 : memref<800000x1x512xf32, #tpu.memory_space<hbm>>) dst(%arg13 : memref<32x1x512xf32, #tpu.memory_space<vmem>>)
    "tpu.region"() ({
      %run_scoped3A = tpu.sem_alloc : memref<!tpu.dma_semaphore, #tpu.memory_space<semaphore_mem>>
      %dma_start3A_81 = arith.constant 0 : i32
      %dma_start3A_82 = arith.constant 0 : i32
      %dma_start3A_83 = tpu.memref_slice %arg7[%mul3A_2, %dma_start3A_81, %dma_start3A_82] : memref<1024x1x512xf32, #tpu.memory_space<hbm>> -> memref<32x1x512xf32, #tpu.memory_space<hbm>>
      %dma_start3A_84 = arith.constant 0 : i32
      %dma_start3A_85 = arith.constant 0 : i32
      %dma_start3A_86 = tpu.memref_slice %arg7[%mul3A_2, %dma_start3A_84, %dma_start3A_85] : memref<1024x1x512xf32, #tpu.memory_space<hbm>> -> memref<32x1x512xf32, #tpu.memory_space<hbm>>
      tpu.enqueue_dma source(%arg13 : memref<32x1x512xf32, #tpu.memory_space<vmem>>) target(%dma_start3A_86 : memref<32x1x512xf32, #tpu.memory_space<hbm>>) target_semaphore(%run_scoped3A : memref<!tpu.dma_semaphore, #tpu.memory_space<semaphore_mem>>)
      %dma_wait3A_87 = arith.constant 0 : i32
      %dma_wait3A_88 = arith.constant 0 : i32
      %dma_wait3A_89 = tpu.memref_slice %arg7[%mul3A_2, %dma_wait3A_87, %dma_wait3A_88] : memref<1024x1x512xf32, #tpu.memory_space<hbm>> -> memref<32x1x512xf32, #tpu.memory_space<hbm>>
      %dma_wait3A_90 = arith.constant 0 : i32
      %dma_wait3A_91 = arith.constant 0 : i32
      %dma_wait3A_92 = tpu.memref_slice %arg7[%mul3A_2, %dma_wait3A_90, %dma_wait3A_91] : memref<1024x1x512xf32, #tpu.memory_space<hbm>> -> memref<32x1x512xf32, #tpu.memory_space<hbm>>
      tpu.wait_dma2 semaphore(%run_scoped3A : memref<!tpu.dma_semaphore, #tpu.memory_space<semaphore_mem>>) src(%arg13 : memref<32x1x512xf32, #tpu.memory_space<vmem>>) dst(%dma_wait3A_92 : memref<32x1x512xf32, #tpu.memory_space<hbm>>)
      tpu.yield
    }) : () -> ()
    %add3A_41 = arith.constant 4096 : i32
    %add3A_42 = arith.addi %add3A_41, %mul3A_2 : i32
    "tpu.region"() ({
      %run_scoped3A = tpu.sem_alloc : memref<!tpu.dma_semaphore, #tpu.memory_space<semaphore_mem>>
      %dma_start3A_81 = tpu.memref_slice %arg3[%add3A_42] : memref<8192xi32, #tpu.memory_space<hbm>> -> memref<32xi32, #tpu.memory_space<hbm>>
      %dma_start3A_82 = tpu.memref_slice %arg3[%add3A_42] : memref<8192xi32, #tpu.memory_space<hbm>> -> memref<32xi32, #tpu.memory_space<hbm>>
      tpu.enqueue_dma source(%dma_start3A_82 : memref<32xi32, #tpu.memory_space<hbm>>) target(%arg12 : memref<32xi32, #tpu.memory_space<vmem>>) target_semaphore(%run_scoped3A : memref<!tpu.dma_semaphore, #tpu.memory_space<semaphore_mem>>)
      %dma_wait3A_83 = tpu.memref_slice %arg3[%add3A_42] : memref<8192xi32, #tpu.memory_space<hbm>> -> memref<32xi32, #tpu.memory_space<hbm>>
      %dma_wait3A_84 = tpu.memref_slice %arg3[%add3A_42] : memref<8192xi32, #tpu.memory_space<hbm>> -> memref<32xi32, #tpu.memory_space<hbm>>
      tpu.wait_dma2 semaphore(%run_scoped3A : memref<!tpu.dma_semaphore, #tpu.memory_space<semaphore_mem>>) src(%dma_wait3A_84 : memref<32xi32, #tpu.memory_space<hbm>>) dst(%arg12 : memref<32xi32, #tpu.memory_space<vmem>>)
      tpu.yield
    }) : () -> ()
    %dma_start3A_43 = arith.constant 0 : i32
    %dma_start3A_44 = arith.constant 0 : i32
    %dma_start3A_45 = arith.constant 0 : i32
    %dma_start3A_46 = tpu.memref_slice %arg2[%dma_start3A_43, %dma_start3A_44, %dma_start3A_45] : memref<800000x1x512xf32, #tpu.memory_space<hbm>> -> memref<800000x1x512xf32, #tpu.memory_space<hbm>>
    tpu.enqueue_indirect_dma source(%dma_start3A_46 : memref<800000x1x512xf32, #tpu.memory_space<hbm>>) target(%arg13 : memref<32x1x512xf32, #tpu.memory_space<vmem>>) offsets(%arg12 : memref<32xi32, #tpu.memory_space<vmem>>) semaphore(%arg14 : memref<!tpu.dma_semaphore, #tpu.memory_space<semaphore_mem>>)
    %dma_wait3A_47 = arith.constant 0 : i32
    %dma_wait3A_48 = arith.constant 0 : i32
    %dma_wait3A_49 = arith.constant 0 : i32
    %dma_wait3A_50 = tpu.memref_slice %arg2[%dma_wait3A_47, %dma_wait3A_48, %dma_wait3A_49] : memref<800000x1x512xf32, #tpu.memory_space<hbm>> -> memref<800000x1x512xf32, #tpu.memory_space<hbm>>
    tpu.wait_indirect_dma semaphore(%arg14 : memref<!tpu.dma_semaphore, #tpu.memory_space<semaphore_mem>>) src(%dma_wait3A_50 : memref<800000x1x512xf32, #tpu.memory_space<hbm>>) dst(%arg13 : memref<32x1x512xf32, #tpu.memory_space<vmem>>)
    "tpu.region"() ({
      %run_scoped3A = tpu.sem_alloc : memref<!tpu.dma_semaphore, #tpu.memory_space<semaphore_mem>>
      %dma_start3A_81 = arith.constant 0 : i32
      %dma_start3A_82 = arith.constant 0 : i32
      %dma_start3A_83 = tpu.memref_slice %arg8[%mul3A_2, %dma_start3A_81, %dma_start3A_82] : memref<1024x1x512xf32, #tpu.memory_space<hbm>> -> memref<32x1x512xf32, #tpu.memory_space<hbm>>
      %dma_start3A_84 = arith.constant 0 : i32
      %dma_start3A_85 = arith.constant 0 : i32
      %dma_start3A_86 = tpu.memref_slice %arg8[%mul3A_2, %dma_start3A_84, %dma_start3A_85] : memref<1024x1x512xf32, #tpu.memory_space<hbm>> -> memref<32x1x512xf32, #tpu.memory_space<hbm>>
      tpu.enqueue_dma source(%arg13 : memref<32x1x512xf32, #tpu.memory_space<vmem>>) target(%dma_start3A_86 : memref<32x1x512xf32, #tpu.memory_space<hbm>>) target_semaphore(%run_scoped3A : memref<!tpu.dma_semaphore, #tpu.memory_space<semaphore_mem>>)
      %dma_wait3A_87 = arith.constant 0 : i32
      %dma_wait3A_88 = arith.constant 0 : i32
      %dma_wait3A_89 = tpu.memref_slice %arg8[%mul3A_2, %dma_wait3A_87, %dma_wait3A_88] : memref<1024x1x512xf32, #tpu.memory_space<hbm>> -> memref<32x1x512xf32, #tpu.memory_space<hbm>>
      %dma_wait3A_90 = arith.constant 0 : i32
      %dma_wait3A_91 = arith.constant 0 : i32
      %dma_wait3A_92 = tpu.memref_slice %arg8[%mul3A_2, %dma_wait3A_90, %dma_wait3A_91] : memref<1024x1x512xf32, #tpu.memory_space<hbm>> -> memref<32x1x512xf32, #tpu.memory_space<hbm>>
      tpu.wait_dma2 semaphore(%run_scoped3A : memref<!tpu.dma_semaphore, #tpu.memory_space<semaphore_mem>>) src(%arg13 : memref<32x1x512xf32, #tpu.memory_space<vmem>>) dst(%dma_wait3A_92 : memref<32x1x512xf32, #tpu.memory_space<hbm>>)
      tpu.yield
    }) : () -> ()
    %add3A_51 = arith.constant 5120 : i32
    %add3A_52 = arith.addi %add3A_51, %mul3A_2 : i32
    "tpu.region"() ({
      %run_scoped3A = tpu.sem_alloc : memref<!tpu.dma_semaphore, #tpu.memory_space<semaphore_mem>>
      %dma_start3A_81 = tpu.memref_slice %arg3[%add3A_52] : memref<8192xi32, #tpu.memory_space<hbm>> -> memref<32xi32, #tpu.memory_space<hbm>>
      %dma_start3A_82 = tpu.memref_slice %arg3[%add3A_52] : memref<8192xi32, #tpu.memory_space<hbm>> -> memref<32xi32, #tpu.memory_space<hbm>>
      tpu.enqueue_dma source(%dma_start3A_82 : memref<32xi32, #tpu.memory_space<hbm>>) target(%arg12 : memref<32xi32, #tpu.memory_space<vmem>>) target_semaphore(%run_scoped3A : memref<!tpu.dma_semaphore, #tpu.memory_space<semaphore_mem>>)
      %dma_wait3A_83 = tpu.memref_slice %arg3[%add3A_52] : memref<8192xi32, #tpu.memory_space<hbm>> -> memref<32xi32, #tpu.memory_space<hbm>>
      %dma_wait3A_84 = tpu.memref_slice %arg3[%add3A_52] : memref<8192xi32, #tpu.memory_space<hbm>> -> memref<32xi32, #tpu.memory_space<hbm>>
      tpu.wait_dma2 semaphore(%run_scoped3A : memref<!tpu.dma_semaphore, #tpu.memory_space<semaphore_mem>>) src(%dma_wait3A_84 : memref<32xi32, #tpu.memory_space<hbm>>) dst(%arg12 : memref<32xi32, #tpu.memory_space<vmem>>)
      tpu.yield
    }) : () -> ()
    %dma_start3A_53 = arith.constant 0 : i32
    %dma_start3A_54 = arith.constant 0 : i32
    %dma_start3A_55 = arith.constant 0 : i32
    %dma_start3A_56 = tpu.memref_slice %arg2[%dma_start3A_53, %dma_start3A_54, %dma_start3A_55] : memref<800000x1x512xf32, #tpu.memory_space<hbm>> -> memref<800000x1x512xf32, #tpu.memory_space<hbm>>
    tpu.enqueue_indirect_dma source(%dma_start3A_56 : memref<800000x1x512xf32, #tpu.memory_space<hbm>>) target(%arg13 : memref<32x1x512xf32, #tpu.memory_space<vmem>>) offsets(%arg12 : memref<32xi32, #tpu.memory_space<vmem>>) semaphore(%arg14 : memref<!tpu.dma_semaphore, #tpu.memory_space<semaphore_mem>>)
    %dma_wait3A_57 = arith.constant 0 : i32
    %dma_wait3A_58 = arith.constant 0 : i32
    %dma_wait3A_59 = arith.constant 0 : i32
    %dma_wait3A_60 = tpu.memref_slice %arg2[%dma_wait3A_57, %dma_wait3A_58, %dma_wait3A_59] : memref<800000x1x512xf32, #tpu.memory_space<hbm>> -> memref<800000x1x512xf32, #tpu.memory_space<hbm>>
    tpu.wait_indirect_dma semaphore(%arg14 : memref<!tpu.dma_semaphore, #tpu.memory_space<semaphore_mem>>) src(%dma_wait3A_60 : memref<800000x1x512xf32, #tpu.memory_space<hbm>>) dst(%arg13 : memref<32x1x512xf32, #tpu.memory_space<vmem>>)
    "tpu.region"() ({
      %run_scoped3A = tpu.sem_alloc : memref<!tpu.dma_semaphore, #tpu.memory_space<semaphore_mem>>
      %dma_start3A_81 = arith.constant 0 : i32
      %dma_start3A_82 = arith.constant 0 : i32
      %dma_start3A_83 = tpu.memref_slice %arg9[%mul3A_2, %dma_start3A_81, %dma_start3A_82] : memref<1024x1x512xf32, #tpu.memory_space<hbm>> -> memref<32x1x512xf32, #tpu.memory_space<hbm>>
      %dma_start3A_84 = arith.constant 0 : i32
      %dma_start3A_85 = arith.constant 0 : i32
      %dma_start3A_86 = tpu.memref_slice %arg9[%mul3A_2, %dma_start3A_84, %dma_start3A_85] : memref<1024x1x512xf32, #tpu.memory_space<hbm>> -> memref<32x1x512xf32, #tpu.memory_space<hbm>>
      tpu.enqueue_dma source(%arg13 : memref<32x1x512xf32, #tpu.memory_space<vmem>>) target(%dma_start3A_86 : memref<32x1x512xf32, #tpu.memory_space<hbm>>) target_semaphore(%run_scoped3A : memref<!tpu.dma_semaphore, #tpu.memory_space<semaphore_mem>>)
      %dma_wait3A_87 = arith.constant 0 : i32
      %dma_wait3A_88 = arith.constant 0 : i32
      %dma_wait3A_89 = tpu.memref_slice %arg9[%mul3A_2, %dma_wait3A_87, %dma_wait3A_88] : memref<1024x1x512xf32, #tpu.memory_space<hbm>> -> memref<32x1x512xf32, #tpu.memory_space<hbm>>
      %dma_wait3A_90 = arith.constant 0 : i32
      %dma_wait3A_91 = arith.constant 0 : i32
      %dma_wait3A_92 = tpu.memref_slice %arg9[%mul3A_2, %dma_wait3A_90, %dma_wait3A_91] : memref<1024x1x512xf32, #tpu.memory_space<hbm>> -> memref<32x1x512xf32, #tpu.memory_space<hbm>>
      tpu.wait_dma2 semaphore(%run_scoped3A : memref<!tpu.dma_semaphore, #tpu.memory_space<semaphore_mem>>) src(%arg13 : memref<32x1x512xf32, #tpu.memory_space<vmem>>) dst(%dma_wait3A_92 : memref<32x1x512xf32, #tpu.memory_space<hbm>>)
      tpu.yield
    }) : () -> ()
    %add3A_61 = arith.constant 6144 : i32
    %add3A_62 = arith.addi %add3A_61, %mul3A_2 : i32
    "tpu.region"() ({
      %run_scoped3A = tpu.sem_alloc : memref<!tpu.dma_semaphore, #tpu.memory_space<semaphore_mem>>
      %dma_start3A_81 = tpu.memref_slice %arg3[%add3A_62] : memref<8192xi32, #tpu.memory_space<hbm>> -> memref<32xi32, #tpu.memory_space<hbm>>
      %dma_start3A_82 = tpu.memref_slice %arg3[%add3A_62] : memref<8192xi32, #tpu.memory_space<hbm>> -> memref<32xi32, #tpu.memory_space<hbm>>
      tpu.enqueue_dma source(%dma_start3A_82 : memref<32xi32, #tpu.memory_space<hbm>>) target(%arg12 : memref<32xi32, #tpu.memory_space<vmem>>) target_semaphore(%run_scoped3A : memref<!tpu.dma_semaphore, #tpu.memory_space<semaphore_mem>>)
      %dma_wait3A_83 = tpu.memref_slice %arg3[%add3A_62] : memref<8192xi32, #tpu.memory_space<hbm>> -> memref<32xi32, #tpu.memory_space<hbm>>
      %dma_wait3A_84 = tpu.memref_slice %arg3[%add3A_62] : memref<8192xi32, #tpu.memory_space<hbm>> -> memref<32xi32, #tpu.memory_space<hbm>>
      tpu.wait_dma2 semaphore(%run_scoped3A : memref<!tpu.dma_semaphore, #tpu.memory_space<semaphore_mem>>) src(%dma_wait3A_84 : memref<32xi32, #tpu.memory_space<hbm>>) dst(%arg12 : memref<32xi32, #tpu.memory_space<vmem>>)
      tpu.yield
    }) : () -> ()
    %dma_start3A_63 = arith.constant 0 : i32
    %dma_start3A_64 = arith.constant 0 : i32
    %dma_start3A_65 = arith.constant 0 : i32
    %dma_start3A_66 = tpu.memref_slice %arg2[%dma_start3A_63, %dma_start3A_64, %dma_start3A_65] : memref<800000x1x512xf32, #tpu.memory_space<hbm>> -> memref<800000x1x512xf32, #tpu.memory_space<hbm>>
    tpu.enqueue_indirect_dma source(%dma_start3A_66 : memref<800000x1x512xf32, #tpu.memory_space<hbm>>) target(%arg13 : memref<32x1x512xf32, #tpu.memory_space<vmem>>) offsets(%arg12 : memref<32xi32, #tpu.memory_space<vmem>>) semaphore(%arg14 : memref<!tpu.dma_semaphore, #tpu.memory_space<semaphore_mem>>)
    %dma_wait3A_67 = arith.constant 0 : i32
    %dma_wait3A_68 = arith.constant 0 : i32
    %dma_wait3A_69 = arith.constant 0 : i32
    %dma_wait3A_70 = tpu.memref_slice %arg2[%dma_wait3A_67, %dma_wait3A_68, %dma_wait3A_69] : memref<800000x1x512xf32, #tpu.memory_space<hbm>> -> memref<800000x1x512xf32, #tpu.memory_space<hbm>>
    tpu.wait_indirect_dma semaphore(%arg14 : memref<!tpu.dma_semaphore, #tpu.memory_space<semaphore_mem>>) src(%dma_wait3A_70 : memref<800000x1x512xf32, #tpu.memory_space<hbm>>) dst(%arg13 : memref<32x1x512xf32, #tpu.memory_space<vmem>>)
    "tpu.region"() ({
      %run_scoped3A = tpu.sem_alloc : memref<!tpu.dma_semaphore, #tpu.memory_space<semaphore_mem>>
      %dma_start3A_81 = arith.constant 0 : i32
      %dma_start3A_82 = arith.constant 0 : i32
      %dma_start3A_83 = tpu.memref_slice %arg10[%mul3A_2, %dma_start3A_81, %dma_start3A_82] : memref<1024x1x512xf32, #tpu.memory_space<hbm>> -> memref<32x1x512xf32, #tpu.memory_space<hbm>>
      %dma_start3A_84 = arith.constant 0 : i32
      %dma_start3A_85 = arith.constant 0 : i32
      %dma_start3A_86 = tpu.memref_slice %arg10[%mul3A_2, %dma_start3A_84, %dma_start3A_85] : memref<1024x1x512xf32, #tpu.memory_space<hbm>> -> memref<32x1x512xf32, #tpu.memory_space<hbm>>
      tpu.enqueue_dma source(%arg13 : memref<32x1x512xf32, #tpu.memory_space<vmem>>) target(%dma_start3A_86 : memref<32x1x512xf32, #tpu.memory_space<hbm>>) target_semaphore(%run_scoped3A : memref<!tpu.dma_semaphore, #tpu.memory_space<semaphore_mem>>)
      %dma_wait3A_87 = arith.constant 0 : i32
      %dma_wait3A_88 = arith.constant 0 : i32
      %dma_wait3A_89 = tpu.memref_slice %arg10[%mul3A_2, %dma_wait3A_87, %dma_wait3A_88] : memref<1024x1x512xf32, #tpu.memory_space<hbm>> -> memref<32x1x512xf32, #tpu.memory_space<hbm>>
      %dma_wait3A_90 = arith.constant 0 : i32
      %dma_wait3A_91 = arith.constant 0 : i32
      %dma_wait3A_92 = tpu.memref_slice %arg10[%mul3A_2, %dma_wait3A_90, %dma_wait3A_91] : memref<1024x1x512xf32, #tpu.memory_space<hbm>> -> memref<32x1x512xf32, #tpu.memory_space<hbm>>
      tpu.wait_dma2 semaphore(%run_scoped3A : memref<!tpu.dma_semaphore, #tpu.memory_space<semaphore_mem>>) src(%arg13 : memref<32x1x512xf32, #tpu.memory_space<vmem>>) dst(%dma_wait3A_92 : memref<32x1x512xf32, #tpu.memory_space<hbm>>)
      tpu.yield
    }) : () -> ()
    %add3A_71 = arith.constant 7168 : i32
    %add3A_72 = arith.addi %add3A_71, %mul3A_2 : i32
    "tpu.region"() ({
      %run_scoped3A = tpu.sem_alloc : memref<!tpu.dma_semaphore, #tpu.memory_space<semaphore_mem>>
      %dma_start3A_81 = tpu.memref_slice %arg3[%add3A_72] : memref<8192xi32, #tpu.memory_space<hbm>> -> memref<32xi32, #tpu.memory_space<hbm>>
      %dma_start3A_82 = tpu.memref_slice %arg3[%add3A_72] : memref<8192xi32, #tpu.memory_space<hbm>> -> memref<32xi32, #tpu.memory_space<hbm>>
      tpu.enqueue_dma source(%dma_start3A_82 : memref<32xi32, #tpu.memory_space<hbm>>) target(%arg12 : memref<32xi32, #tpu.memory_space<vmem>>) target_semaphore(%run_scoped3A : memref<!tpu.dma_semaphore, #tpu.memory_space<semaphore_mem>>)
      %dma_wait3A_83 = tpu.memref_slice %arg3[%add3A_72] : memref<8192xi32, #tpu.memory_space<hbm>> -> memref<32xi32, #tpu.memory_space<hbm>>
      %dma_wait3A_84 = tpu.memref_slice %arg3[%add3A_72] : memref<8192xi32, #tpu.memory_space<hbm>> -> memref<32xi32, #tpu.memory_space<hbm>>
      tpu.wait_dma2 semaphore(%run_scoped3A : memref<!tpu.dma_semaphore, #tpu.memory_space<semaphore_mem>>) src(%dma_wait3A_84 : memref<32xi32, #tpu.memory_space<hbm>>) dst(%arg12 : memref<32xi32, #tpu.memory_space<vmem>>)
      tpu.yield
    }) : () -> ()
    %dma_start3A_73 = arith.constant 0 : i32
    %dma_start3A_74 = arith.constant 0 : i32
    %dma_start3A_75 = arith.constant 0 : i32
    %dma_start3A_76 = tpu.memref_slice %arg2[%dma_start3A_73, %dma_start3A_74, %dma_start3A_75] : memref<800000x1x512xf32, #tpu.memory_space<hbm>> -> memref<800000x1x512xf32, #tpu.memory_space<hbm>>
    tpu.enqueue_indirect_dma source(%dma_start3A_76 : memref<800000x1x512xf32, #tpu.memory_space<hbm>>) target(%arg13 : memref<32x1x512xf32, #tpu.memory_space<vmem>>) offsets(%arg12 : memref<32xi32, #tpu.memory_space<vmem>>) semaphore(%arg14 : memref<!tpu.dma_semaphore, #tpu.memory_space<semaphore_mem>>)
    %dma_wait3A_77 = arith.constant 0 : i32
    %dma_wait3A_78 = arith.constant 0 : i32
    %dma_wait3A_79 = arith.constant 0 : i32
    %dma_wait3A_80 = tpu.memref_slice %arg2[%dma_wait3A_77, %dma_wait3A_78, %dma_wait3A_79] : memref<800000x1x512xf32, #tpu.memory_space<hbm>> -> memref<800000x1x512xf32, #tpu.memory_space<hbm>>
    tpu.wait_indirect_dma semaphore(%arg14 : memref<!tpu.dma_semaphore, #tpu.memory_space<semaphore_mem>>) src(%dma_wait3A_80 : memref<800000x1x512xf32, #tpu.memory_space<hbm>>) dst(%arg13 : memref<32x1x512xf32, #tpu.memory_space<vmem>>)
    "tpu.region"() ({
      %run_scoped3A = tpu.sem_alloc : memref<!tpu.dma_semaphore, #tpu.memory_space<semaphore_mem>>
      %dma_start3A_81 = arith.constant 0 : i32
      %dma_start3A_82 = arith.constant 0 : i32
      %dma_start3A_83 = tpu.memref_slice %arg11[%mul3A_2, %dma_start3A_81, %dma_start3A_82] : memref<1024x1x512xf32, #tpu.memory_space<hbm>> -> memref<32x1x512xf32, #tpu.memory_space<hbm>>
      %dma_start3A_84 = arith.constant 0 : i32
      %dma_start3A_85 = arith.constant 0 : i32
      %dma_start3A_86 = tpu.memref_slice %arg11[%mul3A_2, %dma_start3A_84, %dma_start3A_85] : memref<1024x1x512xf32, #tpu.memory_space<hbm>> -> memref<32x1x512xf32, #tpu.memory_space<hbm>>
      tpu.enqueue_dma source(%arg13 : memref<32x1x512xf32, #tpu.memory_space<vmem>>) target(%dma_start3A_86 : memref<32x1x512xf32, #tpu.memory_space<hbm>>) target_semaphore(%run_scoped3A : memref<!tpu.dma_semaphore, #tpu.memory_space<semaphore_mem>>)
      %dma_wait3A_87 = arith.constant 0 : i32
      %dma_wait3A_88 = arith.constant 0 : i32
      %dma_wait3A_89 = tpu.memref_slice %arg11[%mul3A_2, %dma_wait3A_87, %dma_wait3A_88] : memref<1024x1x512xf32, #tpu.memory_space<hbm>> -> memref<32x1x512xf32, #tpu.memory_space<hbm>>
      %dma_wait3A_90 = arith.constant 0 : i32
      %dma_wait3A_91 = arith.constant 0 : i32
      %dma_wait3A_92 = tpu.memref_slice %arg11[%mul3A_2, %dma_wait3A_90, %dma_wait3A_91] : memref<1024x1x512xf32, #tpu.memory_space<hbm>> -> memref<32x1x512xf32, #tpu.memory_space<hbm>>
      tpu.wait_dma2 semaphore(%run_scoped3A : memref<!tpu.dma_semaphore, #tpu.memory_space<semaphore_mem>>) src(%arg13 : memref<32x1x512xf32, #tpu.memory_space<vmem>>) dst(%dma_wait3A_92 : memref<32x1x512xf32, #tpu.memory_space<hbm>>)
      tpu.yield
    }) : () -> ()
    return
  }
}

module attributes {stable_mosaic.version = 14 : i64} {
  func.func @_tc_assemble_body(%arg0: i32, %arg1: memref<7x1x512xf32, #tpu.memory_space<vmem>>, %arg2: memref<1024x1x512xf32, #tpu.memory_space<vmem>>, %arg3: memref<7x1024x512xf32, #tpu.memory_space<vmem>>) attributes {dimension_semantics = [#tpu.dimension_semantics<arbitrary>], iteration_bounds = array<i64: 11>, scalar_prefetch = 0 : i64, scratch_operands = 0 : i64, tpu.core_type = #tpu.core_type<tc>, window_params = [{transform_indices = @transform_0, window_bounds = array<i64: 7, 1, 512>}, {pipeline_mode = #tpu.pipeline_mode<synchronous>, transform_indices = @transform_1, window_bounds = array<i64: 1024, 1, 512>}, {transform_indices = @transform_2, window_bounds = array<i64: 7, 1024, 512>}]} {
    %mul3A = arith.constant 7 : i32
    %mul3A_0 = arith.muli %arg0, %mul3A : i32
    %add3A = arith.constant 0 : i32
    %add3A_1 = arith.addi %mul3A_0, %add3A : i32
    %eq3A = arith.constant 7 : i32
    %eq3A_2 = arith.cmpi eq, %add3A_1, %eq3A : i32
    %convert_element_type3A = arith.extui %eq3A_2 : i1 to i32
    %cond3A = arith.constant 0 : i32
    %cond3A_3 = arith.cmpi ne, %convert_element_type3A, %cond3A : i32
    scf.if %cond3A_3 {
      %get3A = arith.constant 0 : index
      %get3A_92 = arith.constant 0 : index
      %get3A_93 = arith.constant 0 : index
      %get3A_94 = vector.load %arg2[%get3A, %get3A_92, %get3A_93] : memref<1024x1x512xf32, #tpu.memory_space<vmem>>, vector<1024x1x512xf32>
      %get3A_95 = vector.shape_cast %get3A_94 : vector<1024x1x512xf32> to vector<1024x512xf32>
      %swap3A = arith.constant 0 : index
      %swap3A_96 = arith.constant 0 : index
      %swap3A_97 = arith.constant 0 : index
      %swap3A_98 = vector.load %arg3[%swap3A, %swap3A_96, %swap3A_97] : memref<7x1024x512xf32, #tpu.memory_space<vmem>>, vector<1x1024x512xf32>
      %swap3A_99 = vector.shape_cast %swap3A_98 : vector<1x1024x512xf32> to vector<1024x512xf32>
      %swap3A_100 = vector.shape_cast %get3A_95 : vector<1024x512xf32> to vector<1x1024x512xf32>
      tpu.vector_store %arg3[%swap3A, %swap3A_96, %swap3A_97], %swap3A_100 {strides = array<i32>} : memref<7x1024x512xf32, #tpu.memory_space<vmem>>, vector<1x1024x512xf32>,
    } else {
    }
    %ne3A = arith.constant 7 : i32
    %ne3A_4 = arith.cmpi ne, %add3A_1, %ne3A : i32
    %convert_element_type3A_5 = arith.extui %ne3A_4 : i1 to i32
    %cond3A_6 = arith.constant 0 : i32
    %cond3A_7 = arith.cmpi ne, %convert_element_type3A_5, %cond3A_6 : i32
    scf.if %cond3A_7 {
      %get3A = arith.constant 0 : index
      %get3A_92 = arith.constant 0 : index
      %get3A_93 = arith.constant 0 : index
      %get3A_94 = vector.load %arg1[%get3A, %get3A_92, %get3A_93] : memref<7x1x512xf32, #tpu.memory_space<vmem>>, vector<1x1x512xf32>
      %get3A_95 = vector.shape_cast %get3A_94 : vector<1x1x512xf32> to vector<512xf32>
      %broadcast_in_dim3A = vector.shape_cast %get3A_95 : vector<512xf32> to vector<1x512xf32>
      %broadcast_in_dim3A_96 = vector.broadcast %broadcast_in_dim3A : vector<1x512xf32> to vector<1024x512xf32>
      %swap3A = arith.constant 0 : index
      %swap3A_97 = arith.constant 0 : index
      %swap3A_98 = arith.constant 0 : index
      %swap3A_99 = vector.load %arg3[%swap3A, %swap3A_97, %swap3A_98] : memref<7x1024x512xf32, #tpu.memory_space<vmem>>, vector<1x1024x512xf32>
      %swap3A_100 = vector.shape_cast %swap3A_99 : vector<1x1024x512xf32> to vector<1024x512xf32>
      %swap3A_101 = vector.shape_cast %broadcast_in_dim3A_96 : vector<1024x512xf32> to vector<1x1024x512xf32>
      tpu.vector_store %arg3[%swap3A, %swap3A_97, %swap3A_98], %swap3A_101 {strides = array<i32>} : memref<7x1024x512xf32, #tpu.memory_space<vmem>>, vector<1x1024x512xf32>,
    } else {
    }
    %mul3A_8 = arith.constant 7 : i32
    %mul3A_9 = arith.muli %arg0, %mul3A_8 : i32
    %add3A_10 = arith.constant 1 : i32
    %add3A_11 = arith.addi %mul3A_9, %add3A_10 : i32
    %eq3A_12 = arith.constant 7 : i32
    %eq3A_13 = arith.cmpi eq, %add3A_11, %eq3A_12 : i32
    %convert_element_type3A_14 = arith.extui %eq3A_13 : i1 to i32
    %cond3A_15 = arith.constant 0 : i32
    %cond3A_16 = arith.cmpi ne, %convert_element_type3A_14, %cond3A_15 : i32
    scf.if %cond3A_16 {
      %get3A = arith.constant 0 : index
      %get3A_92 = arith.constant 0 : index
      %get3A_93 = arith.constant 0 : index
      %get3A_94 = vector.load %arg2[%get3A, %get3A_92, %get3A_93] : memref<1024x1x512xf32, #tpu.memory_space<vmem>>, vector<1024x1x512xf32>
      %get3A_95 = vector.shape_cast %get3A_94 : vector<1024x1x512xf32> to vector<1024x512xf32>
      %swap3A = arith.constant 1 : index
      %swap3A_96 = arith.constant 0 : index
      %swap3A_97 = arith.constant 0 : index
      %swap3A_98 = vector.load %arg3[%swap3A, %swap3A_96, %swap3A_97] : memref<7x1024x512xf32, #tpu.memory_space<vmem>>, vector<1x1024x512xf32>
      %swap3A_99 = vector.shape_cast %swap3A_98 : vector<1x1024x512xf32> to vector<1024x512xf32>
      %swap3A_100 = vector.shape_cast %get3A_95 : vector<1024x512xf32> to vector<1x1024x512xf32>
      tpu.vector_store %arg3[%swap3A, %swap3A_96, %swap3A_97], %swap3A_100 {strides = array<i32>} : memref<7x1024x512xf32, #tpu.memory_space<vmem>>, vector<1x1024x512xf32>,
    } else {
    }
    %ne3A_17 = arith.constant 7 : i32
    %ne3A_18 = arith.cmpi ne, %add3A_11, %ne3A_17 : i32
    %convert_element_type3A_19 = arith.extui %ne3A_18 : i1 to i32
    %cond3A_20 = arith.constant 0 : i32
    %cond3A_21 = arith.cmpi ne, %convert_element_type3A_19, %cond3A_20 : i32
    scf.if %cond3A_21 {
      %get3A = arith.constant 1 : index
      %get3A_92 = arith.constant 0 : index
      %get3A_93 = arith.constant 0 : index
      %get3A_94 = vector.load %arg1[%get3A, %get3A_92, %get3A_93] : memref<7x1x512xf32, #tpu.memory_space<vmem>>, vector<1x1x512xf32>
      %get3A_95 = vector.shape_cast %get3A_94 : vector<1x1x512xf32> to vector<512xf32>
      %broadcast_in_dim3A = vector.shape_cast %get3A_95 : vector<512xf32> to vector<1x512xf32>
      %broadcast_in_dim3A_96 = vector.broadcast %broadcast_in_dim3A : vector<1x512xf32> to vector<1024x512xf32>
      %swap3A = arith.constant 1 : index
      %swap3A_97 = arith.constant 0 : index
      %swap3A_98 = arith.constant 0 : index
      %swap3A_99 = vector.load %arg3[%swap3A, %swap3A_97, %swap3A_98] : memref<7x1024x512xf32, #tpu.memory_space<vmem>>, vector<1x1024x512xf32>
      %swap3A_100 = vector.shape_cast %swap3A_99 : vector<1x1024x512xf32> to vector<1024x512xf32>
      %swap3A_101 = vector.shape_cast %broadcast_in_dim3A_96 : vector<1024x512xf32> to vector<1x1024x512xf32>
      tpu.vector_store %arg3[%swap3A, %swap3A_97, %swap3A_98], %swap3A_101 {strides = array<i32>} : memref<7x1024x512xf32, #tpu.memory_space<vmem>>, vector<1x1024x512xf32>,
    } else {
    }
    %mul3A_22 = arith.constant 7 : i32
    %mul3A_23 = arith.muli %arg0, %mul3A_22 : i32
    %add3A_24 = arith.constant 2 : i32
    %add3A_25 = arith.addi %mul3A_23, %add3A_24 : i32
    %eq3A_26 = arith.constant 7 : i32
    %eq3A_27 = arith.cmpi eq, %add3A_25, %eq3A_26 : i32
    %convert_element_type3A_28 = arith.extui %eq3A_27 : i1 to i32
    %cond3A_29 = arith.constant 0 : i32
    %cond3A_30 = arith.cmpi ne, %convert_element_type3A_28, %cond3A_29 : i32
    scf.if %cond3A_30 {
      %get3A = arith.constant 0 : index
      %get3A_92 = arith.constant 0 : index
      %get3A_93 = arith.constant 0 : index
      %get3A_94 = vector.load %arg2[%get3A, %get3A_92, %get3A_93] : memref<1024x1x512xf32, #tpu.memory_space<vmem>>, vector<1024x1x512xf32>
      %get3A_95 = vector.shape_cast %get3A_94 : vector<1024x1x512xf32> to vector<1024x512xf32>
      %swap3A = arith.constant 2 : index
      %swap3A_96 = arith.constant 0 : index
      %swap3A_97 = arith.constant 0 : index
      %swap3A_98 = vector.load %arg3[%swap3A, %swap3A_96, %swap3A_97] : memref<7x1024x512xf32, #tpu.memory_space<vmem>>, vector<1x1024x512xf32>
      %swap3A_99 = vector.shape_cast %swap3A_98 : vector<1x1024x512xf32> to vector<1024x512xf32>
      %swap3A_100 = vector.shape_cast %get3A_95 : vector<1024x512xf32> to vector<1x1024x512xf32>
      tpu.vector_store %arg3[%swap3A, %swap3A_96, %swap3A_97], %swap3A_100 {strides = array<i32>} : memref<7x1024x512xf32, #tpu.memory_space<vmem>>, vector<1x1024x512xf32>,
    } else {
    }
    %ne3A_31 = arith.constant 7 : i32
    %ne3A_32 = arith.cmpi ne, %add3A_25, %ne3A_31 : i32
    %convert_element_type3A_33 = arith.extui %ne3A_32 : i1 to i32
    %cond3A_34 = arith.constant 0 : i32
    %cond3A_35 = arith.cmpi ne, %convert_element_type3A_33, %cond3A_34 : i32
    scf.if %cond3A_35 {
      %get3A = arith.constant 2 : index
      %get3A_92 = arith.constant 0 : index
      %get3A_93 = arith.constant 0 : index
      %get3A_94 = vector.load %arg1[%get3A, %get3A_92, %get3A_93] : memref<7x1x512xf32, #tpu.memory_space<vmem>>, vector<1x1x512xf32>
      %get3A_95 = vector.shape_cast %get3A_94 : vector<1x1x512xf32> to vector<512xf32>
      %broadcast_in_dim3A = vector.shape_cast %get3A_95 : vector<512xf32> to vector<1x512xf32>
      %broadcast_in_dim3A_96 = vector.broadcast %broadcast_in_dim3A : vector<1x512xf32> to vector<1024x512xf32>
      %swap3A = arith.constant 2 : index
      %swap3A_97 = arith.constant 0 : index
      %swap3A_98 = arith.constant 0 : index
      %swap3A_99 = vector.load %arg3[%swap3A, %swap3A_97, %swap3A_98] : memref<7x1024x512xf32, #tpu.memory_space<vmem>>, vector<1x1024x512xf32>
      %swap3A_100 = vector.shape_cast %swap3A_99 : vector<1x1024x512xf32> to vector<1024x512xf32>
      %swap3A_101 = vector.shape_cast %broadcast_in_dim3A_96 : vector<1024x512xf32> to vector<1x1024x512xf32>
      tpu.vector_store %arg3[%swap3A, %swap3A_97, %swap3A_98], %swap3A_101 {strides = array<i32>} : memref<7x1024x512xf32, #tpu.memory_space<vmem>>, vector<1x1024x512xf32>,
    } else {
    }
    %mul3A_36 = arith.constant 7 : i32
    %mul3A_37 = arith.muli %arg0, %mul3A_36 : i32
    %add3A_38 = arith.constant 3 : i32
    %add3A_39 = arith.addi %mul3A_37, %add3A_38 : i32
    %eq3A_40 = arith.constant 7 : i32
    %eq3A_41 = arith.cmpi eq, %add3A_39, %eq3A_40 : i32
    %convert_element_type3A_42 = arith.extui %eq3A_41 : i1 to i32
    %cond3A_43 = arith.constant 0 : i32
    %cond3A_44 = arith.cmpi ne, %convert_element_type3A_42, %cond3A_43 : i32
    scf.if %cond3A_44 {
      %get3A = arith.constant 0 : index
      %get3A_92 = arith.constant 0 : index
      %get3A_93 = arith.constant 0 : index
      %get3A_94 = vector.load %arg2[%get3A, %get3A_92, %get3A_93] : memref<1024x1x512xf32, #tpu.memory_space<vmem>>, vector<1024x1x512xf32>
      %get3A_95 = vector.shape_cast %get3A_94 : vector<1024x1x512xf32> to vector<1024x512xf32>
      %swap3A = arith.constant 3 : index
      %swap3A_96 = arith.constant 0 : index
      %swap3A_97 = arith.constant 0 : index
      %swap3A_98 = vector.load %arg3[%swap3A, %swap3A_96, %swap3A_97] : memref<7x1024x512xf32, #tpu.memory_space<vmem>>, vector<1x1024x512xf32>
      %swap3A_99 = vector.shape_cast %swap3A_98 : vector<1x1024x512xf32> to vector<1024x512xf32>
      %swap3A_100 = vector.shape_cast %get3A_95 : vector<1024x512xf32> to vector<1x1024x512xf32>
      tpu.vector_store %arg3[%swap3A, %swap3A_96, %swap3A_97], %swap3A_100 {strides = array<i32>} : memref<7x1024x512xf32, #tpu.memory_space<vmem>>, vector<1x1024x512xf32>,
    } else {
    }
    %ne3A_45 = arith.constant 7 : i32
    %ne3A_46 = arith.cmpi ne, %add3A_39, %ne3A_45 : i32
    %convert_element_type3A_47 = arith.extui %ne3A_46 : i1 to i32
    %cond3A_48 = arith.constant 0 : i32
    %cond3A_49 = arith.cmpi ne, %convert_element_type3A_47, %cond3A_48 : i32
    scf.if %cond3A_49 {
      %get3A = arith.constant 3 : index
      %get3A_92 = arith.constant 0 : index
      %get3A_93 = arith.constant 0 : index
      %get3A_94 = vector.load %arg1[%get3A, %get3A_92, %get3A_93] : memref<7x1x512xf32, #tpu.memory_space<vmem>>, vector<1x1x512xf32>
      %get3A_95 = vector.shape_cast %get3A_94 : vector<1x1x512xf32> to vector<512xf32>
      %broadcast_in_dim3A = vector.shape_cast %get3A_95 : vector<512xf32> to vector<1x512xf32>
      %broadcast_in_dim3A_96 = vector.broadcast %broadcast_in_dim3A : vector<1x512xf32> to vector<1024x512xf32>
      %swap3A = arith.constant 3 : index
      %swap3A_97 = arith.constant 0 : index
      %swap3A_98 = arith.constant 0 : index
      %swap3A_99 = vector.load %arg3[%swap3A, %swap3A_97, %swap3A_98] : memref<7x1024x512xf32, #tpu.memory_space<vmem>>, vector<1x1024x512xf32>
      %swap3A_100 = vector.shape_cast %swap3A_99 : vector<1x1024x512xf32> to vector<1024x512xf32>
      %swap3A_101 = vector.shape_cast %broadcast_in_dim3A_96 : vector<1024x512xf32> to vector<1x1024x512xf32>
      tpu.vector_store %arg3[%swap3A, %swap3A_97, %swap3A_98], %swap3A_101 {strides = array<i32>} : memref<7x1024x512xf32, #tpu.memory_space<vmem>>, vector<1x1024x512xf32>,
    } else {
    }
    %mul3A_50 = arith.constant 7 : i32
    %mul3A_51 = arith.muli %arg0, %mul3A_50 : i32
    %add3A_52 = arith.constant 4 : i32
    %add3A_53 = arith.addi %mul3A_51, %add3A_52 : i32
    %eq3A_54 = arith.constant 7 : i32
    %eq3A_55 = arith.cmpi eq, %add3A_53, %eq3A_54 : i32
    %convert_element_type3A_56 = arith.extui %eq3A_55 : i1 to i32
    %cond3A_57 = arith.constant 0 : i32
    %cond3A_58 = arith.cmpi ne, %convert_element_type3A_56, %cond3A_57 : i32
    scf.if %cond3A_58 {
      %get3A = arith.constant 0 : index
      %get3A_92 = arith.constant 0 : index
      %get3A_93 = arith.constant 0 : index
      %get3A_94 = vector.load %arg2[%get3A, %get3A_92, %get3A_93] : memref<1024x1x512xf32, #tpu.memory_space<vmem>>, vector<1024x1x512xf32>
      %get3A_95 = vector.shape_cast %get3A_94 : vector<1024x1x512xf32> to vector<1024x512xf32>
      %swap3A = arith.constant 4 : index
      %swap3A_96 = arith.constant 0 : index
      %swap3A_97 = arith.constant 0 : index
      %swap3A_98 = vector.load %arg3[%swap3A, %swap3A_96, %swap3A_97] : memref<7x1024x512xf32, #tpu.memory_space<vmem>>, vector<1x1024x512xf32>
      %swap3A_99 = vector.shape_cast %swap3A_98 : vector<1x1024x512xf32> to vector<1024x512xf32>
      %swap3A_100 = vector.shape_cast %get3A_95 : vector<1024x512xf32> to vector<1x1024x512xf32>
      tpu.vector_store %arg3[%swap3A, %swap3A_96, %swap3A_97], %swap3A_100 {strides = array<i32>} : memref<7x1024x512xf32, #tpu.memory_space<vmem>>, vector<1x1024x512xf32>,
    } else {
    }
    %ne3A_59 = arith.constant 7 : i32
    %ne3A_60 = arith.cmpi ne, %add3A_53, %ne3A_59 : i32
    %convert_element_type3A_61 = arith.extui %ne3A_60 : i1 to i32
    %cond3A_62 = arith.constant 0 : i32
    %cond3A_63 = arith.cmpi ne, %convert_element_type3A_61, %cond3A_62 : i32
    scf.if %cond3A_63 {
      %get3A = arith.constant 4 : index
      %get3A_92 = arith.constant 0 : index
      %get3A_93 = arith.constant 0 : index
      %get3A_94 = vector.load %arg1[%get3A, %get3A_92, %get3A_93] : memref<7x1x512xf32, #tpu.memory_space<vmem>>, vector<1x1x512xf32>
      %get3A_95 = vector.shape_cast %get3A_94 : vector<1x1x512xf32> to vector<512xf32>
      %broadcast_in_dim3A = vector.shape_cast %get3A_95 : vector<512xf32> to vector<1x512xf32>
      %broadcast_in_dim3A_96 = vector.broadcast %broadcast_in_dim3A : vector<1x512xf32> to vector<1024x512xf32>
      %swap3A = arith.constant 4 : index
      %swap3A_97 = arith.constant 0 : index
      %swap3A_98 = arith.constant 0 : index
      %swap3A_99 = vector.load %arg3[%swap3A, %swap3A_97, %swap3A_98] : memref<7x1024x512xf32, #tpu.memory_space<vmem>>, vector<1x1024x512xf32>
      %swap3A_100 = vector.shape_cast %swap3A_99 : vector<1x1024x512xf32> to vector<1024x512xf32>
      %swap3A_101 = vector.shape_cast %broadcast_in_dim3A_96 : vector<1024x512xf32> to vector<1x1024x512xf32>
      tpu.vector_store %arg3[%swap3A, %swap3A_97, %swap3A_98], %swap3A_101 {strides = array<i32>} : memref<7x1024x512xf32, #tpu.memory_space<vmem>>, vector<1x1024x512xf32>,
    } else {
    }
    %mul3A_64 = arith.constant 7 : i32
    %mul3A_65 = arith.muli %arg0, %mul3A_64 : i32
    %add3A_66 = arith.constant 5 : i32
    %add3A_67 = arith.addi %mul3A_65, %add3A_66 : i32
    %eq3A_68 = arith.constant 7 : i32
    %eq3A_69 = arith.cmpi eq, %add3A_67, %eq3A_68 : i32
    %convert_element_type3A_70 = arith.extui %eq3A_69 : i1 to i32
    %cond3A_71 = arith.constant 0 : i32
    %cond3A_72 = arith.cmpi ne, %convert_element_type3A_70, %cond3A_71 : i32
    scf.if %cond3A_72 {
      %get3A = arith.constant 0 : index
      %get3A_92 = arith.constant 0 : index
      %get3A_93 = arith.constant 0 : index
      %get3A_94 = vector.load %arg2[%get3A, %get3A_92, %get3A_93] : memref<1024x1x512xf32, #tpu.memory_space<vmem>>, vector<1024x1x512xf32>
      %get3A_95 = vector.shape_cast %get3A_94 : vector<1024x1x512xf32> to vector<1024x512xf32>
      %swap3A = arith.constant 5 : index
      %swap3A_96 = arith.constant 0 : index
      %swap3A_97 = arith.constant 0 : index
      %swap3A_98 = vector.load %arg3[%swap3A, %swap3A_96, %swap3A_97] : memref<7x1024x512xf32, #tpu.memory_space<vmem>>, vector<1x1024x512xf32>
      %swap3A_99 = vector.shape_cast %swap3A_98 : vector<1x1024x512xf32> to vector<1024x512xf32>
      %swap3A_100 = vector.shape_cast %get3A_95 : vector<1024x512xf32> to vector<1x1024x512xf32>
      tpu.vector_store %arg3[%swap3A, %swap3A_96, %swap3A_97], %swap3A_100 {strides = array<i32>} : memref<7x1024x512xf32, #tpu.memory_space<vmem>>, vector<1x1024x512xf32>,
    } else {
    }
    %ne3A_73 = arith.constant 7 : i32
    %ne3A_74 = arith.cmpi ne, %add3A_67, %ne3A_73 : i32
    %convert_element_type3A_75 = arith.extui %ne3A_74 : i1 to i32
    %cond3A_76 = arith.constant 0 : i32
    %cond3A_77 = arith.cmpi ne, %convert_element_type3A_75, %cond3A_76 : i32
    scf.if %cond3A_77 {
      %get3A = arith.constant 5 : index
      %get3A_92 = arith.constant 0 : index
      %get3A_93 = arith.constant 0 : index
      %get3A_94 = vector.load %arg1[%get3A, %get3A_92, %get3A_93] : memref<7x1x512xf32, #tpu.memory_space<vmem>>, vector<1x1x512xf32>
      %get3A_95 = vector.shape_cast %get3A_94 : vector<1x1x512xf32> to vector<512xf32>
      %broadcast_in_dim3A = vector.shape_cast %get3A_95 : vector<512xf32> to vector<1x512xf32>
      %broadcast_in_dim3A_96 = vector.broadcast %broadcast_in_dim3A : vector<1x512xf32> to vector<1024x512xf32>
      %swap3A = arith.constant 5 : index
      %swap3A_97 = arith.constant 0 : index
      %swap3A_98 = arith.constant 0 : index
      %swap3A_99 = vector.load %arg3[%swap3A, %swap3A_97, %swap3A_98] : memref<7x1024x512xf32, #tpu.memory_space<vmem>>, vector<1x1024x512xf32>
      %swap3A_100 = vector.shape_cast %swap3A_99 : vector<1x1024x512xf32> to vector<1024x512xf32>
      %swap3A_101 = vector.shape_cast %broadcast_in_dim3A_96 : vector<1024x512xf32> to vector<1x1024x512xf32>
      tpu.vector_store %arg3[%swap3A, %swap3A_97, %swap3A_98], %swap3A_101 {strides = array<i32>} : memref<7x1024x512xf32, #tpu.memory_space<vmem>>, vector<1x1024x512xf32>,
    } else {
    }
    %mul3A_78 = arith.constant 7 : i32
    %mul3A_79 = arith.muli %arg0, %mul3A_78 : i32
    %add3A_80 = arith.constant 6 : i32
    %add3A_81 = arith.addi %mul3A_79, %add3A_80 : i32
    %eq3A_82 = arith.constant 7 : i32
    %eq3A_83 = arith.cmpi eq, %add3A_81, %eq3A_82 : i32
    %convert_element_type3A_84 = arith.extui %eq3A_83 : i1 to i32
    %cond3A_85 = arith.constant 0 : i32
    %cond3A_86 = arith.cmpi ne, %convert_element_type3A_84, %cond3A_85 : i32
    scf.if %cond3A_86 {
      %get3A = arith.constant 0 : index
      %get3A_92 = arith.constant 0 : index
      %get3A_93 = arith.constant 0 : index
      %get3A_94 = vector.load %arg2[%get3A, %get3A_92, %get3A_93] : memref<1024x1x512xf32, #tpu.memory_space<vmem>>, vector<1024x1x512xf32>
      %get3A_95 = vector.shape_cast %get3A_94 : vector<1024x1x512xf32> to vector<1024x512xf32>
      %swap3A = arith.constant 6 : index
      %swap3A_96 = arith.constant 0 : index
      %swap3A_97 = arith.constant 0 : index
      %swap3A_98 = vector.load %arg3[%swap3A, %swap3A_96, %swap3A_97] : memref<7x1024x512xf32, #tpu.memory_space<vmem>>, vector<1x1024x512xf32>
      %swap3A_99 = vector.shape_cast %swap3A_98 : vector<1x1024x512xf32> to vector<1024x512xf32>
      %swap3A_100 = vector.shape_cast %get3A_95 : vector<1024x512xf32> to vector<1x1024x512xf32>
      tpu.vector_store %arg3[%swap3A, %swap3A_96, %swap3A_97], %swap3A_100 {strides = array<i32>} : memref<7x1024x512xf32, #tpu.memory_space<vmem>>, vector<1x1024x512xf32>,
    } else {
    }
    %ne3A_87 = arith.constant 7 : i32
    %ne3A_88 = arith.cmpi ne, %add3A_81, %ne3A_87 : i32
    %convert_element_type3A_89 = arith.extui %ne3A_88 : i1 to i32
    %cond3A_90 = arith.constant 0 : i32
    %cond3A_91 = arith.cmpi ne, %convert_element_type3A_89, %cond3A_90 : i32
    scf.if %cond3A_91 {
      %get3A = arith.constant 6 : index
      %get3A_92 = arith.constant 0 : index
      %get3A_93 = arith.constant 0 : index
      %get3A_94 = vector.load %arg1[%get3A, %get3A_92, %get3A_93] : memref<7x1x512xf32, #tpu.memory_space<vmem>>, vector<1x1x512xf32>
      %get3A_95 = vector.shape_cast %get3A_94 : vector<1x1x512xf32> to vector<512xf32>
      %broadcast_in_dim3A = vector.shape_cast %get3A_95 : vector<512xf32> to vector<1x512xf32>
      %broadcast_in_dim3A_96 = vector.broadcast %broadcast_in_dim3A : vector<1x512xf32> to vector<1024x512xf32>
      %swap3A = arith.constant 6 : index
      %swap3A_97 = arith.constant 0 : index
      %swap3A_98 = arith.constant 0 : index
      %swap3A_99 = vector.load %arg3[%swap3A, %swap3A_97, %swap3A_98] : memref<7x1024x512xf32, #tpu.memory_space<vmem>>, vector<1x1024x512xf32>
      %swap3A_100 = vector.shape_cast %swap3A_99 : vector<1x1024x512xf32> to vector<1024x512xf32>
      %swap3A_101 = vector.shape_cast %broadcast_in_dim3A_96 : vector<1024x512xf32> to vector<1x1024x512xf32>
      tpu.vector_store %arg3[%swap3A, %swap3A_97, %swap3A_98], %swap3A_101 {strides = array<i32>} : memref<7x1024x512xf32, #tpu.memory_space<vmem>>, vector<1x1024x512xf32>,
    } else {
    }
    return
  }
  func.func @transform_0(%arg0: i32) -> (i32, i32, i32) {
    %c0_i32 = arith.constant 0 : i32
    %c0_i32_0 = arith.constant 0 : i32
    %c0_i32_1 = arith.constant 0 : i32
    return %arg0, %c0_i32, %c0_i32_0 : i32, i32, i32
  }
  func.func @transform_1(%arg0: i32) -> (i32, i32, i32) {
    %c0_i32 = arith.constant 0 : i32
    %c0_i32_0 = arith.constant 0 : i32
    %c0_i32_1 = arith.constant 0 : i32
    %c0_i32_2 = arith.constant 0 : i32
    return %c0_i32, %c0_i32_0, %c0_i32_1 : i32, i32, i32
  }
  func.func @transform_2(%arg0: i32) -> (i32, i32, i32) {
    %c0_i32 = arith.constant 0 : i32
    %c0_i32_0 = arith.constant 0 : i32
    %c0_i32_1 = arith.constant 0 : i32
    return %arg0, %c0_i32, %c0_i32_0 : i32, i32, i32
  }
}

</mosaic_0001>

<sc_bundles>
// kernel: kernel.5.cloned.1.call-start
scs
__scs_entry_jumppad:
0x0: {  	(pc) =	sbr.rel $0x88, $3  }
0x1: {  	(tag) =	ssettag $0x0;
	lr =	simm.s32 $0x1  }
0x2: {  	[smem:$0x3F9A] =	sst lr;
	_ =	strace $0xD0000000  }
0x3: {  	_ = 	snop  }
0x4: {  	_ = 	snop  }
0x5: {  	_ = 	snop  }
0x6: {  	_ = 	snop  }
0x7: {  	_ = 	snop  }
__scs_overlays_trampoline_lowered:
0x8: {  	[smem:$0x3FA9] =	sst s0  }
0x9: {  	[smem:$0x3FAA] =	sst s1  }
0xa: {  	[smem:$0x3FAB] =	sst s2  }
0xb: {  	[smem:$0x3FAC] =	sst s3  }
0xc: {  	[smem:$0x3FAD] =	sst s4  }
0xd: {  	[smem:$0x3FAE] =	sst s5  }
0xe: {  	[smem:$0x3FAF] =	sst s6  }
0xf: {  	[smem:$0x3FB0] =	sst s7  }
0x10: {  	[smem:$0x3FB1] =	sst s8  }
0x11: {  	[smem:$0x3FB2] =	sst s9;
	s0 =	simm.s32 @!p0 $0x0  }
0x12: {  	s1 =	sld [smem:$0x3F98];
	s0 =	simm.s32 @p0 $0x1  }
0x13: {  	[smem:$0x3FB3] =	sst s0;
	s0 =	simm.s32 @!p1 $0x0  }
0x14: {  	s2 =	sld [smem:$0x3F97];
	s0 =	simm.s32 @p1 $0x1  }
0x15: {  	[smem:$0x3FB4] =	sst s0;
	s0 =	simm.s32 @!p2 $0x0  }
0x16: {  	s3 =	sld [smem:$0x3FDB];
	s0 =	simm.s32 @p2 $0x1  }
0x17: {  	s4 =	simm.s32 $0x1BF5;
	[smem:$0x3FB6] =	sst s0  }
0x18: {  	s0 =	sld [smem:$0x3F99];
	_ =	swait.ge [sflag:s4], $0x0  }
0x19: {  	s7 =	sld [smem:$0x3F9A]  }
0x1a: {  	s8 =	sadd.s32 $0xFFFFE003, lr  }
0x1b: {  	s9 =	sadd.s32 $0xFFFFFEF7, lr;
	s5 =	simm.s32 $0xFFFFFFFF;
	p2 =	slt.u32 s8, $0xFFFFF086  }
0x1c: {  	p1 =	slt.u32 s9, $0xF7A;
	s5 =	simm.s32 @!p2 $0x0  }
0x1d: {  	s5 =	simm.s32 @p1 $0x1;
	p0 =	seq.s32 s7, s2  }
0x1e: {  	s7 =	smul.u32 @!p0 $0xF7A, s2;
	p2 =	seq.s32 @!p0 s5, $0x0  }
0x1f: {  	s9 =	smul.u32 $0xF7A, s1;
	s8 =	simm.s32 @!p0 $0x1BF5;
	p2 =	por !p2, p0  }
0x20: {  	[sflag:s8] =	ssyncset.s32 @!p0 $0xFFFFF086;
	s6 =	sadd.s32 @!p0 s3, s7;
	s7 =	simm.s32 @!p0 $0x108  }
0x21: {  	s3 =	sadd.s32 s3, s9;
	s6 =	sadd.s32 @!p0 $0x88, s6;
	s7 =	simm.s32 @p2 $0x1082  }
0x22: {  	[simem:s7], [sflag:s8] =	dma.local @!p0 [hbm:s6], $0xF7A  }
0x23: {  	s9 =	sor.u32 $0xD0000000, s2;
	s6 =	simm.s32 $0x108;
	_ =	swait.ge @!p0 [sflag:s8], $0x0  }
0x24: {  	s3 =	sadd.s32 $0x88, s3;
	s6 =	simm.s32 @!p1 $0x1082;
	[sflag:s4] =	ssyncset.s32 $0xFFFFF086  }
0x25: {  	[simem:s6], [sflag:s4] =	dma.local [hbm:s3], $0xF7A  }
0x26: {  	[smem:$0x3F9A] =	sst s1;
	(tag) =	ssettag s2;
	_ =	strace s9  }
0x27: {  	s1 =	sld [smem:$0x3FAA]  }
0x28: {  	s2 =	sld [smem:$0x3FAB]  }
0x29: {  	s4 =	sld [smem:$0x3FAD]  }
0x2a: {  	p0 =	seq.s32 s5, $0x0;
	s5 =	sld [smem:$0x3FAE]  }
0x2b: {  	s6 =	sld [smem:$0x3FAF]  }
0x2c: {  	s7 =	sld [smem:$0x3FB0]  }
0x2d: {  	s3 =	simm.s32 $0x108;
	s8 =	sld [smem:$0x3FB1]  }
0x2e: {  	s3 =	simm.s32 @!p0 $0x1082;
	s9 =	sld [smem:$0x3FB2]  }
0x2f: {  	lr =	sadd.s32 s0, s3;
	s0 =	sld [smem:$0x3FA9]  }
0x30: {  	s3 =	sld [smem:$0x3FAC]  }
0x31: {  	[smem:$0x3FB5] =	sst s10  }
0x32: {  	s10 =	sld [smem:$0x3FB3];
	_ =	sdelay $0x3  }
0x33: {  	p0 =	seq.s32 s10, $0x1;
	s10 =	sld [smem:$0x3FB5];
	_ =	sdelay $0x3  }
0x34: {  	[smem:$0x3FB5] =	sst s10  }
0x35: {  	s10 =	sld [smem:$0x3FB4];
	_ =	sdelay $0x3  }
0x36: {  	p1 =	seq.s32 s10, $0x1;
	s10 =	sld [smem:$0x3FB5];
	_ =	sdelay $0x3  }
0x37: {  	[smem:$0x3FB5] =	sst s10  }
0x38: {  	s10 =	sld [smem:$0x3FB6]  }
0x39: {  	_ = 	snop;
	(pc) =	sbr.ind lr, $3  }
0x3a: {  	_ = 	snop  }
0x3b: {  	_ = 	snop  }
0x3c: {  	p2 =	seq.s32 s10, $0x1;
	s10 =	sld [smem:$0x3FB5]  }
0x3d: {  	_ =	shalt  }
0x3e: {  	_ =	shalt  }
0x3f: {  	_ =	shalt  }
0x40: {  	_ =	shalt  }
0x41: {  	_ =	shalt  }
0x42: {  	_ =	shalt  }
0x43: {  	_ =	shalt  }
0x44: {  	_ =	shalt  }
0x45: {  	_ =	shalt  }
0x46: {  	_ =	shalt  }
0x47: {  	_ =	shalt  }
0x48: {  	_ =	shalt  }
0x49: {  	_ =	shalt  }
0x4a: {  	_ =	shalt  }
0x4b: {  	_ =	shalt  }
0x4c: {  	_ =	shalt  }
0x4d: {  	_ =	shalt  }
0x4e: {  	_ =	shalt  }
0x4f: {  	_ =	shalt  }
0x50: {  	_ =	shalt  }
0x51: {  	_ =	shalt  }
0x52: {  	_ =	shalt  }
0x53: {  	_ =	shalt  }
0x54: {  	_ =	shalt  }
0x55: {  	_ =	shalt  }
0x56: {  	_ =	shalt  }
0x57: {  	_ =	shalt  }
0x58: {  	_ =	shalt  }
0x59: {  	_ =	shalt  }
0x5a: {  	_ =	shalt  }
0x5b: {  	_ =	shalt  }
0x5c: {  	_ =	shalt  }
0x5d: {  	_ =	shalt  }
0x5e: {  	_ =	shalt  }
0x5f: {  	_ =	shalt  }
0x60: {  	_ =	shalt  }
0x61: {  	_ =	shalt  }
0x62: {  	_ =	shalt  }
0x63: {  	_ =	shalt  }
0x64: {  	_ =	shalt  }
0x65: {  	_ =	shalt  }
0x66: {  	_ =	shalt  }
0x67: {  	_ =	shalt  }
0x68: {  	_ =	shalt  }
0x69: {  	_ =	shalt  }
0x6a: {  	_ =	shalt  }
0x6b: {  	_ =	shalt  }
0x6c: {  	_ =	shalt  }
0x6d: {  	_ =	shalt  }
0x6e: {  	_ =	shalt  }
0x6f: {  	_ =	shalt  }
0x70: {  	_ =	shalt  }
0x71: {  	_ =	shalt  }
0x72: {  	_ =	shalt  }
0x73: {  	_ =	shalt  }
0x74: {  	_ =	shalt  }
0x75: {  	_ =	shalt  }
0x76: {  	_ =	shalt  }
0x77: {  	_ =	shalt  }
0x78: {  	_ =	shalt  }
0x79: {  	_ =	shalt  }
0x7a: {  	_ =	shalt  }
0x7b: {  	_ =	shalt  }
0x7c: {  	_ =	shalt  }
0x7d: {  	_ =	shalt  }
0x7e: {  	_ =	shalt  }
0x7f: {  	_ =	shalt  }
0x80: {  	_ =	shalt  }
0x81: {  	_ =	shalt  }
0x82: {  	_ =	shalt  }
0x83: {  	_ =	shalt  }
0x84: {  	_ =	shalt  }
0x85: {  	_ =	shalt  }
0x86: {  	_ =	shalt  }
0x87: {  	_ =	shalt  }
.Lfunc_end0:
.L_simem_size_0:
called_computation_lowered:
.L_overlay_start_0:
0x88: {  	s2 =	sld [smem:$0x3FD9]  }
0x89: {  	s3 =	sld [smem:$0x3FFE];
	_ =	sdelay $0x1  }
0x8a: {  	s1 =	srdreg.scid  }
0x8b: {  	s0 =	sand.u32 $0x1, s1  }
0x8c: {  	s15 =	sshll.u32 s0, $0xA;
	s2 =	sadd.s32 s3, s2  }
0x8d: {  	s2 =	sadd.s32 s2, s15  }
0x8e: {  	[smem:$0x3FC1] =	sst s2  }
0x8f: {  	_ = 	snop  }
0x90: {  	s2 =	sld [smem:$0x3FD0];
	_ =	sdelay $0x1  }
0x91: {  	s16 =	sld [smem:$0x3FC9]  }
0x92: {  	s5 =	simm.s32 $0xB;
	s6 =	simm.s32 $0x10;
	s4 =	sld [smem:$0x3FC3]  }
0x93: {  	[smem:s6], [sflag:s5] =	dma.local [hbm:s2], $0x1  }
0x94: {  	_ =	swait.eq [sflag:s5], $0x1  }
0x95: {  	[sflag:s5] =	ssyncset.done $0x0  }
0x96: {  	[sflag:s5] =	ssyncadd.s32 $0xFFFFFFFF  }
0x97: {  	s17 =	sld [smem:$0x10];
	(tm) =	ssettm $0x1  }
0x98: {  	s18 =	sld [smem:$0x3FFB];
	_ =	sdelay $0x3  }
0x99: {  	_ =	strace s18  }
0x9a: {  	s5 =	sld [smem:$0x3FFC];
	_ =	sdelay $0x3  }
0x9b: {  	_ =	strace s5  }
0x9c: {  	s5 =	sld [smem:$0x3FFD];
	_ =	sdelay $0x3  }
0x9d: {  	_ =	strace s5  }
0x9e: {  	_ =	strace $0x8FFFFFFF  }
0x9f: {  	s19 =	sld [smem:$0x3FDB];
	_ =	sdelay $0x1  }
0xa0: {  	s20 =	simm.s32 $_scs_section_size  }
0xa1: {  	s7 =	simm.s32 $_size__tile_overlayer_lowered;
	s8 =	simm.s32 $_tile_overlayer_lowered  }
0xa2: {  	s23 =	simm.s32 $0x1BFF;
	s22 =	sshll.u32 s8, $0x1;
	s5 =	sadd.s32 s20, s19  }
0xa3: {  	s9 =	simm.s32 $0x0;
	s21 =	sshll.u32 s7, $0x1;
	s7 =	sadd.s32 s22, s5  }
0xa4: {  	[timem:s9], [sflag:s23] =	dma.local [hbm:s7], s21  }
0xa5: {  	_ =	swait.ge [sflag:s23], s21  }
0xa6: {  	s6 =	ssub.s32 $0x0, s21;
	[sflag:s23] =	ssyncset.done $0x0  }
0xa7: {  	[sflag:s23] =	ssyncadd.s32 s6;
	_ =	sdelay $0x1  }
0xa8: {  	s24 =	simm.s32 $0x1B8B  }
0xa9: {  	_ =	swait.ge [sflag:s24], $0x1  }
0xaa: {  	[sflag:s24] =	ssyncset.done $0x0  }
0xab: {  	s25 =	simm.s32 $0x1B8E;
	[sflag:s24] =	ssyncadd.s32 $0xFFFFFFFF  }
0xac: {  	s26 =	simm.s32 $execute0_lowered;
	[smem:$0x3FD2] =	sst s25  }
0xad: {  	s6 =	sshll.u32 s26, $0x1;
	_ =	strace $0x80000046;
	[dreg:$0x1] =	wrdreg $0xFFFFFFFF  }
0xae: {  	s28 =	simm.s32 $_size_execute0_lowered;
	s5 =	sadd.s32 s5, s6;
	[dreg:$0x0] =	wrdreg $0x0  }
0xaf: {  	s6 =	sshll.u32 s28, $0x1;
	[dreg:$0x2] =	wrdreg s5  }
0xb0: {  	[dreg:$0x3] =	wrdreg s6  }
0xb1: {  	[dreg:$0x4] =	wrdreg $0xC0  }
0xb2: {  	_ =	task [dreg:s9], $0x5FFFF  }
0xb3: {  	[dreg:$0x1] =	wrdreg $0xFFFFFFFF  }
0xb4: {  	[dreg:$0x0] =	wrdreg $0x60  }
0xb5: {  	[dreg:$0x2] =	wrdreg s16  }
0xb6: {  	[dreg:$0x3] =	wrdreg s4  }
0xb7: {  	[dreg:$0x4] =	wrdreg s17  }
0xb8: {  	[dreg:$0x5] =	wrdreg $0x9  }
0xb9: {  	_ =	task.clear_ibuf [dreg:s9], $0x6FFFF;
	_ =	strace $0x90000046  }
0xba: {  	s29 =	simm.s32 $0x9;
	_ =	strace $0x80000048  }
0xbb: {  	_ =	swait.ge [sflag:s29], $0x1  }
0xbc: {  	[sflag:s29] =	ssyncadd.s32 $0xFFFFFFFF  }
0xbd: {  	_ =	strace $0x90000048  }
0xbe: {  	_ =	sfence  }
0xbf: {  	s30 =	sld [smem:$0x0];
	_ =	sdelay $0x2  }
0xc0: {  	s31 =	sshll.u32 s1, $0xD;
	s1 =	sshrl.u32 s1, $0x2  }
0xc1: {  	s3 =	sand.u32 $0x4000, s31;
	s1 =	sadd.s32 s1, s30  }
0xc2: {  	s0 =	sor.u32 s3, s0;
	s1 =	sshll.u32 s1, $0x11  }
0xc3: {  	s0 =	sor.u32 s1, s0  }
0xc4: {  	s0 =	sadd.s32 $0x8F2B, s0  }
0xc5: {  	[sflag:s0] =	ssyncadd.remote.s32 $0x1  }
0xc6: {  	_ =	sfence.sel $0xFFFF  }
0xc7: {  	[dreg:$0x0] =	wrdreg $0xFFFFFFFF;
	(pc) =	sbr.abs _section_cstart, $3  }
0xc8: {  	[dreg:$0x1] =	wrdreg $0xFFFFFFFF  }
0xc9: {  	_ =	task.clear_ibuf [dreg:s9], $0x2FFFF;
	_ =	strace $0x9FFFFFFF  }
0xca: {  	(tm) =	ssettm $0x7FFFFFFF  }
0xcb: {  	_ =	shalt  }
tec
execute0_lowered:
.L_overlay_start_1:
0x0: {  	(tag) =	ssettag $0x1  }
0x1: {  	s1 =	rddreg [dreg:$0x0]  }
0x2: {  	s2 =	srdreg.scid;
	s4 =	rddreg [dreg:$0x1]  }
0x3: {  	s0 =	stileid.u32;
	s9 =	rddreg [dreg:$0x2];
	s6 =	sand.u32 $0x1, s2  }
0x4: {  	s3 =	simm.s32 $0x0;
	s5 =	sshll.u32 s0, $0x6;
	s7 =	sshll.u32 s6, $0x5  }
0x5: {  	[smem:$0x7FF] =	sst s3;
	s10 =	sor.u32 s7, s5  }
0x6: {  	s2 =	rddreg [dreg:$0x3];
	_ =	strace $0x80000047;
	s5 =	sshrl.u32 s10, $0x3  }
0x7: {  	s11 =	ssub.s32 $0x2, s6;
	s5 =	sadd.s32 s4, s5;
	s4 =	simm.s32 $0x2  }
0x8: {  	[tilespmem:s3], [sflag:$0x2] =	stream.linear.gather [hbm4b:s5+s3], $0x20, $0x38;
	[tilespmem:$0x4080] =	vst v63  }
0x9: {  	s8 =	simm.s32 $0x1;
	s12 =	sshrl.u32 s11, $0x1;
	_ =	swait.ge [sflag:s4], $0x20  }
0xa: {  	s6 =	simm.s32 $0x20;
	s11 =	ssub.s32 s11, s12;
	[sflag:s4] =	ssyncset.done $0x0  }
0xb: {  	s7 =	simm.s32 $0x80;
	s31 =	smax.u32 s11, $0x1;
	[sflag:s4] =	ssyncadd.s32 $0xFFFFFFE0  }
0xc: {  	[tilespmem:s7], [sflag:$0x1] =	stream.indirect.gather [hbm4b:s1+s6], $0x200, s3, s6, $0xb8;
	[tilespmem:$0x4080] =	vst v63  }
0xd: {  	p0 =	sne.s32 s31, $0x1;
	_ =	swait.ge [sflag:s8], $0x4000  }
.Ltmp0:
0xe: {  	s10 =	sshll.u32 s10, $0x6;
	[sflag:s8] =	ssyncset.done $0x0;
	(pc) =	sbr.rel @!p0 .LBB2_2-.Ltmp0, $4  }
0xf: {  	s9 =	sadd.s32 s9, s10;
	[sflag:s8] =	ssyncadd.s32 $0xFFFFC000  }
0x10: {  	[hbm4b:s9+s3] =	stream.linear.scatter [tilespmem:s7], [sflag:$0x2], $0x4000, $0x38;
	[tilespmem:$0x4080] =	vst v63  }
0x11: {  	_ =	swait.ge [sflag:s4], $0x4000  }
0x12: {  	s10 =	sadd.s32 $0xFFFFFFFF, s31;
	[sflag:s4] =	ssyncset.done $0x0  }
.LBB2_1:
0x13: {  	p0 =	sne.s32 s10, $0x1;
	s10 =	sadd.s32 $0xFFFFFFFF, s10;
	[sflag:s4] =	ssyncadd.s32 $0xFFFFC000  }
0x14: {  	[tilespmem:s3], [sflag:$0x2] =	stream.linear.gather [hbm4b:s5+s3], $0x20, $0x38;
	[tilespmem:$0x4080] =	vst v63  }
0x15: {  	_ =	swait.ge [sflag:s4], $0x20  }
0x16: {  	[sflag:s4] =	ssyncset.done $0x0  }
0x17: {  	[sflag:s4] =	ssyncadd.s32 $0xFFFFFFE0  }
0x18: {  	[tilespmem:s7], [sflag:$0x1] =	stream.indirect.gather [hbm4b:s1+s6], $0x200, s3, s6, $0xb8;
	[tilespmem:$0x4080] =	vst v63  }
0x19: {  	_ =	swait.ge [sflag:s8], $0x4000  }
.Ltmp1:
0x1a: {  	[sflag:s8] =	ssyncset.done $0x0;
	(pc) =	sbr.rel @p0 .LBB2_1-.Ltmp1, $4  }
0x1b: {  	[sflag:s8] =	ssyncadd.s32 $0xFFFFC000  }
0x1c: {  	[hbm4b:s9+s3] =	stream.linear.scatter [tilespmem:s7], [sflag:$0x2], $0x4000, $0x38;
	[tilespmem:$0x4080] =	vst v63  }
0x1d: {  	_ =	swait.ge [sflag:s4], $0x4000  }
0x1e: {  	[sflag:s4] =	ssyncset.done $0x0  }
.LBB2_2:
0x1f: {  	[sflag:s4] =	ssyncadd.s32 $0xFFFFC000  }
0x20: {  	_ =	sfence.sel $0x180000  }
0x21: {  	[bflag:$0x0] =	sbarrier.arrive $0xFFFF  }
0x22: {  	p0 =	sne.s32 s0, $0x0;
	_ =	strace $0x90000047  }
0x23: {  	s0 =	sadd.s32 @!p0 $0x100000, s2;
	[bflag:$0x2] =	sbarrier.arrive $0xFFFF  }
0x24: {  	[sflag:s0] =	ssyncadd.tile.s32 @!p0 $0x1;
	_ =	shalt  }
.Lfunc_end2:
_tile_overlayer_lowered:
.L_overlay_start_2:
0x25: {  	(tag) =	ssettag $0x2  }
0x26: {  	s0 =	rddreg [dreg:$0x0];
	s2 =	stileid.u32  }
0x27: {  	s1 =	rddreg [dreg:$0x1];
	p0 =	sne.s32 s2, $0x0  }
0x28: {  	s3 =	rddreg [dreg:$0x2];
	[bflag:$0x3] =	sbarrier.arrive $0xFFFF;
	s2 =	simm.s32 @!p0 $0x1C02  }
0x29: {  	[timem:s3], [sflag:s2] =	dma.local @!p0 [hbm:s0], s1  }
0x2a: {  	s0 =	simm.s32 @!p0 $0x2  }
0x2b: {  	_ =	swait.ge @!p0 [sflag:s0], s1  }
0x2c: {  	s1 =	ssub.s32 @!p0 $0x0, s1;
	[sflag:s0] =	ssyncset.done @!p0 $0x0  }
0x2d: {  	[sflag:s0] =	ssyncadd.s32 @!p0 s1  }
0x2e: {  	[bflag:$0x3] =	sbarrier.arrive $0xFFFF  }
0x2f: {  	_ =	shalt  }

// kernel: kernel.8.cloned.1.call-start
scs
__scs_entry_jumppad:
0x0: {  	(pc) =	sbr.rel $0x88, $3  }
0x1: {  	(tag) =	ssettag $0x0;
	lr =	simm.s32 $0x1  }
0x2: {  	[smem:$0x3F9A] =	sst lr;
	_ =	strace $0xD0000000  }
0x3: {  	_ = 	snop  }
0x4: {  	_ = 	snop  }
0x5: {  	_ = 	snop  }
0x6: {  	_ = 	snop  }
0x7: {  	_ = 	snop  }
__scs_overlays_trampoline_lowered:
0x8: {  	[smem:$0x3FA9] =	sst s0  }
0x9: {  	[smem:$0x3FAA] =	sst s1  }
0xa: {  	[smem:$0x3FAB] =	sst s2  }
0xb: {  	[smem:$0x3FAC] =	sst s3  }
0xc: {  	[smem:$0x3FAD] =	sst s4  }
0xd: {  	[smem:$0x3FAE] =	sst s5  }
0xe: {  	[smem:$0x3FAF] =	sst s6  }
0xf: {  	[smem:$0x3FB0] =	sst s7  }
0x10: {  	[smem:$0x3FB1] =	sst s8  }
0x11: {  	[smem:$0x3FB2] =	sst s9;
	s0 =	simm.s32 @!p0 $0x0  }
0x12: {  	s1 =	sld [smem:$0x3F98];
	s0 =	simm.s32 @p0 $0x1  }
0x13: {  	[smem:$0x3FB3] =	sst s0;
	s0 =	simm.s32 @!p1 $0x0  }
0x14: {  	s2 =	sld [smem:$0x3F97];
	s0 =	simm.s32 @p1 $0x1  }
0x15: {  	[smem:$0x3FB4] =	sst s0;
	s0 =	simm.s32 @!p2 $0x0  }
0x16: {  	s3 =	sld [smem:$0x3FDB];
	s0 =	simm.s32 @p2 $0x1  }
0x17: {  	s4 =	simm.s32 $0x1BF5;
	[smem:$0x3FB6] =	sst s0  }
0x18: {  	s0 =	sld [smem:$0x3F99];
	_ =	swait.ge [sflag:s4], $0x0  }
0x19: {  	s7 =	sld [smem:$0x3F9A]  }
0x1a: {  	s8 =	sadd.s32 $0xFFFFE003, lr  }
0x1b: {  	s9 =	sadd.s32 $0xFFFFFEF7, lr;
	s5 =	simm.s32 $0xFFFFFFFF;
	p2 =	slt.u32 s8, $0xFFFFF086  }
0x1c: {  	p1 =	slt.u32 s9, $0xF7A;
	s5 =	simm.s32 @!p2 $0x0  }
0x1d: {  	s5 =	simm.s32 @p1 $0x1;
	p0 =	seq.s32 s7, s2  }
0x1e: {  	s7 =	smul.u32 @!p0 $0xF7A, s2;
	p2 =	seq.s32 @!p0 s5, $0x0  }
0x1f: {  	s9 =	smul.u32 $0xF7A, s1;
	s8 =	simm.s32 @!p0 $0x1BF5;
	p2 =	por !p2, p0  }
0x20: {  	[sflag:s8] =	ssyncset.s32 @!p0 $0xFFFFF086;
	s6 =	sadd.s32 @!p0 s3, s7;
	s7 =	simm.s32 @!p0 $0x108  }
0x21: {  	s3 =	sadd.s32 s3, s9;
	s6 =	sadd.s32 @!p0 $0x88, s6;
	s7 =	simm.s32 @p2 $0x1082  }
0x22: {  	[simem:s7], [sflag:s8] =	dma.local @!p0 [hbm:s6], $0xF7A  }
0x23: {  	s9 =	sor.u32 $0xD0000000, s2;
	s6 =	simm.s32 $0x108;
	_ =	swait.ge @!p0 [sflag:s8], $0x0  }
0x24: {  	s3 =	sadd.s32 $0x88, s3;
	s6 =	simm.s32 @!p1 $0x1082;
	[sflag:s4] =	ssyncset.s32 $0xFFFFF086  }
0x25: {  	[simem:s6], [sflag:s4] =	dma.local [hbm:s3], $0xF7A  }
0x26: {  	[smem:$0x3F9A] =	sst s1;
	(tag) =	ssettag s2;
	_ =	strace s9  }
0x27: {  	s1 =	sld [smem:$0x3FAA]  }
0x28: {  	s2 =	sld [smem:$0x3FAB]  }
0x29: {  	s4 =	sld [smem:$0x3FAD]  }
0x2a: {  	p0 =	seq.s32 s5, $0x0;
	s5 =	sld [smem:$0x3FAE]  }
0x2b: {  	s6 =	sld [smem:$0x3FAF]  }
0x2c: {  	s7 =	sld [smem:$0x3FB0]  }
0x2d: {  	s3 =	simm.s32 $0x108;
	s8 =	sld [smem:$0x3FB1]  }
0x2e: {  	s3 =	simm.s32 @!p0 $0x1082;
	s9 =	sld [smem:$0x3FB2]  }
0x2f: {  	lr =	sadd.s32 s0, s3;
	s0 =	sld [smem:$0x3FA9]  }
0x30: {  	s3 =	sld [smem:$0x3FAC]  }
0x31: {  	[smem:$0x3FB5] =	sst s10  }
0x32: {  	s10 =	sld [smem:$0x3FB3];
	_ =	sdelay $0x3  }
0x33: {  	p0 =	seq.s32 s10, $0x1;
	s10 =	sld [smem:$0x3FB5];
	_ =	sdelay $0x3  }
0x34: {  	[smem:$0x3FB5] =	sst s10  }
0x35: {  	s10 =	sld [smem:$0x3FB4];
	_ =	sdelay $0x3  }
0x36: {  	p1 =	seq.s32 s10, $0x1;
	s10 =	sld [smem:$0x3FB5];
	_ =	sdelay $0x3  }
0x37: {  	[smem:$0x3FB5] =	sst s10  }
0x38: {  	s10 =	sld [smem:$0x3FB6]  }
0x39: {  	_ = 	snop;
	(pc) =	sbr.ind lr, $3  }
0x3a: {  	_ = 	snop  }
0x3b: {  	_ = 	snop  }
0x3c: {  	p2 =	seq.s32 s10, $0x1;
	s10 =	sld [smem:$0x3FB5]  }
0x3d: {  	_ =	shalt  }
0x3e: {  	_ =	shalt  }
0x3f: {  	_ =	shalt  }
0x40: {  	_ =	shalt  }
0x41: {  	_ =	shalt  }
0x42: {  	_ =	shalt  }
0x43: {  	_ =	shalt  }
0x44: {  	_ =	shalt  }
0x45: {  	_ =	shalt  }
0x46: {  	_ =	shalt  }
0x47: {  	_ =	shalt  }
0x48: {  	_ =	shalt  }
0x49: {  	_ =	shalt  }
0x4a: {  	_ =	shalt  }
0x4b: {  	_ =	shalt  }
0x4c: {  	_ =	shalt  }
0x4d: {  	_ =	shalt  }
0x4e: {  	_ =	shalt  }
0x4f: {  	_ =	shalt  }
0x50: {  	_ =	shalt  }
0x51: {  	_ =	shalt  }
0x52: {  	_ =	shalt  }
0x53: {  	_ =	shalt  }
0x54: {  	_ =	shalt  }
0x55: {  	_ =	shalt  }
0x56: {  	_ =	shalt  }
0x57: {  	_ =	shalt  }
0x58: {  	_ =	shalt  }
0x59: {  	_ =	shalt  }
0x5a: {  	_ =	shalt  }
0x5b: {  	_ =	shalt  }
0x5c: {  	_ =	shalt  }
0x5d: {  	_ =	shalt  }
0x5e: {  	_ =	shalt  }
0x5f: {  	_ =	shalt  }
0x60: {  	_ =	shalt  }
0x61: {  	_ =	shalt  }
0x62: {  	_ =	shalt  }
0x63: {  	_ =	shalt  }
0x64: {  	_ =	shalt  }
0x65: {  	_ =	shalt  }
0x66: {  	_ =	shalt  }
0x67: {  	_ =	shalt  }
0x68: {  	_ =	shalt  }
0x69: {  	_ =	shalt  }
0x6a: {  	_ =	shalt  }
0x6b: {  	_ =	shalt  }
0x6c: {  	_ =	shalt  }
0x6d: {  	_ =	shalt  }
0x6e: {  	_ =	shalt  }
0x6f: {  	_ =	shalt  }
0x70: {  	_ =	shalt  }
0x71: {  	_ =	shalt  }
0x72: {  	_ =	shalt  }
0x73: {  	_ =	shalt  }
0x74: {  	_ =	shalt  }
0x75: {  	_ =	shalt  }
0x76: {  	_ =	shalt  }
0x77: {  	_ =	shalt  }
0x78: {  	_ =	shalt  }
0x79: {  	_ =	shalt  }
0x7a: {  	_ =	shalt  }
0x7b: {  	_ =	shalt  }
0x7c: {  	_ =	shalt  }
0x7d: {  	_ =	shalt  }
0x7e: {  	_ =	shalt  }
0x7f: {  	_ =	shalt  }
0x80: {  	_ =	shalt  }
0x81: {  	_ =	shalt  }
0x82: {  	_ =	shalt  }
0x83: {  	_ =	shalt  }
0x84: {  	_ =	shalt  }
0x85: {  	_ =	shalt  }
0x86: {  	_ =	shalt  }
0x87: {  	_ =	shalt  }
.Lfunc_end0:
.L_simem_size_0:
called_computation.1_lowered:
.L_overlay_start_0:
0x88: {  	s2 =	sld [smem:$0x3FD9]  }
0x89: {  	s3 =	sld [smem:$0x3FFE];
	_ =	sdelay $0x1  }
0x8a: {  	s1 =	srdreg.scid  }
0x8b: {  	s0 =	sand.u32 $0x1, s1  }
0x8c: {  	s14 =	sshll.u32 s0, $0xA;
	s2 =	sadd.s32 s3, s2  }
0x8d: {  	s2 =	sadd.s32 s2, s14  }
0x8e: {  	[smem:$0x3FC1] =	sst s2  }
0x8f: {  	_ = 	snop  }
0x90: {  	s10 =	sld [smem:$0x3FD0];
	_ =	sdelay $0x2  }
0x91: {  	s11 =	simm.s32 $0xB  }
0x92: {  	s12 =	simm.s32 $0x10;
	s2 =	sld [smem:$0x3FC6];
	s15 =	sadd.s32 $0x1, s10  }
0x93: {  	[smem:s12], [sflag:s11] =	dma.local [hbm:s15], $0x1  }
0x94: {  	_ =	swait.eq [sflag:s11], $0x1  }
0x95: {  	s16 =	sld [smem:$0x11]  }
0x96: {  	s4 =	sld [smem:$0x12]  }
0x97: {  	s5 =	sld [smem:$0x13]  }
0x98: {  	s6 =	sld [smem:$0x14]  }
0x99: {  	s7 =	sld [smem:$0x15];
	[sflag:s11] =	ssyncset.done $0x0  }
0x9a: {  	s8 =	sld [smem:$0x16];
	[sflag:s11] =	ssyncadd.s32 $0xFFFFFFFF  }
0x9b: {  	s10 =	sadd.s32 $0x2, s10;
	s9 =	sld [smem:$0x17]  }
0x9c: {  	[smem:s12], [sflag:s11] =	dma.local [hbm:s10], $0x1  }
0x9d: {  	_ =	swait.eq [sflag:s11], $0x1  }
0x9e: {  	[sflag:s11] =	ssyncset.done $0x0  }
0x9f: {  	[sflag:s11] =	ssyncadd.s32 $0xFFFFFFFF  }
0xa0: {  	s17 =	sld [smem:$0x10];
	(tm) =	ssettm $0x1  }
0xa1: {  	s18 =	sld [smem:$0x3FFB];
	_ =	sdelay $0x3  }
0xa2: {  	_ =	strace s18  }
0xa3: {  	s10 =	sld [smem:$0x3FFC];
	_ =	sdelay $0x3  }
0xa4: {  	_ =	strace s10  }
0xa5: {  	s10 =	sld [smem:$0x3FFD];
	_ =	sdelay $0x3  }
0xa6: {  	_ =	strace s10  }
0xa7: {  	_ =	strace $0x8FFFFFFF  }
0xa8: {  	s19 =	sld [smem:$0x3FDB];
	_ =	sdelay $0x1  }
0xa9: {  	s20 =	simm.s32 $_scs_section_size  }
0xaa: {  	s13 =	simm.s32 $_size__tile_overlayer_lowered;
	s14 =	simm.s32 $_tile_overlayer_lowered  }
0xab: {  	s22 =	simm.s32 $0x0;
	s21 =	sshll.u32 s14, $0x1;
	s12 =	sadd.s32 s20, s19  }
0xac: {  	s13 =	sshll.u32 s13, $0x1;
	s15 =	simm.s32 $0x1BFF;
	s14 =	sadd.s32 s21, s12  }
0xad: {  	[timem:s22], [sflag:s15] =	dma.local [hbm:s14], s13  }
0xae: {  	_ =	swait.ge [sflag:s15], s13  }
0xaf: {  	s13 =	ssub.s32 $0x0, s13;
	[sflag:s15] =	ssyncset.done $0x0  }
0xb0: {  	[sflag:s15] =	ssyncadd.s32 s13;
	_ =	sdelay $0x1  }
0xb1: {  	s23 =	simm.s32 $0x1B8B  }
0xb2: {  	_ =	swait.ge [sflag:s23], $0x1  }
0xb3: {  	[sflag:s23] =	ssyncset.done $0x0  }
0xb4: {  	[sflag:s23] =	ssyncadd.s32 $0xFFFFFFFF  }
0xb5: {  	s13 =	sld [smem:$0x0]  }
0xb6: {  	s14 =	sand.u32 $0xFFFFFFFE, s1  }
0xb7: {  	p0 =	sne.s32 s1, s14  }
0xb8: {  	s14 =	sshll.u32 @p0 s14, $0xE  }
0xb9: {  	s14 =	sadd.s32 @p0 $0x11B8D, s14;
	s15 =	sshll.u32 @p0 s13, $0x11  }
0xba: {  	s14 =	sor.u32 @p0 s15, s14  }
0xbb: {  	[sflag:s14] =	ssyncadd.remote.s32 @p0 $0x1;
	_ =	sdelay $0x1  }
0xbc: {  	s14 =	simm.s32 @p0 $0x1B8D  }
0xbd: {  	_ =	swait.eq @p0 [sflag:s14], $0x1  }
0xbe: {  	[sflag:s14] =	ssyncadd.s32 @p0 $0xFFFFFFFF  }
0xbf: {  	s15 =	sshll.u32 @!p0 s1, $0xE  }
0xc0: {  	s15 =	sor.u32 @!p0 $0x4000, s15;
	s14 =	simm.s32 @!p0 $0x1B8D  }
0xc1: {  	s13 =	sshll.u32 @!p0 s13, $0x11;
	s15 =	sadd.s32 @!p0 $0x11B8D, s15;
	_ =	swait.eq @!p0 [sflag:s14], $0x1  }
0xc2: {  	s13 =	sor.u32 @!p0 s13, s15;
	[sflag:s14] =	ssyncadd.s32 @!p0 $0xFFFFFFFF  }
0xc3: {  	s25 =	simm.s32 $0x1B8E;
	s24 =	sld [smem:$0x3FFE];
	[sflag:s13] =	ssyncadd.remote.s32 @!p0 $0x1  }
0xc4: {  	s26 =	simm.s32 $execute0_lowered;
	[smem:$0x3FD2] =	sst s25  }
0xc5: {  	s14 =	sshll.u32 s26, $0x1;
	_ =	strace $0x80000049;
	[dreg:$0x1] =	wrdreg $0xFFFFFFFF  }
0xc6: {  	s28 =	simm.s32 $_size_execute0_lowered;
	s12 =	sadd.s32 s12, s14;
	[dreg:$0x0] =	wrdreg $0x0  }
0xc7: {  	s14 =	sshll.u32 s28, $0x1;
	[dreg:$0x2] =	wrdreg s12  }
0xc8: {  	[dreg:$0x3] =	wrdreg s14  }
0xc9: {  	[dreg:$0x4] =	wrdreg $0xC0  }
0xca: {  	_ =	task [dreg:s22], $0x5FFFF  }
0xcb: {  	[dreg:$0x1] =	wrdreg $0xFFFFFFFF  }
0xcc: {  	[dreg:$0x0] =	wrdreg $0x60  }
0xcd: {  	[dreg:$0x2] =	wrdreg s2  }
0xce: {  	[dreg:$0x3] =	wrdreg s24  }
0xcf: {  	[dreg:$0x4] =	wrdreg s16  }
0xd0: {  	[dreg:$0x5] =	wrdreg s4  }
0xd1: {  	[dreg:$0x6] =	wrdreg s5  }
0xd2: {  	[dreg:$0x7] =	wrdreg s6  }
0xd3: {  	[dreg:$0x8] =	wrdreg s7  }
0xd4: {  	[dreg:$0x9] =	wrdreg s8  }
0xd5: {  	[dreg:$0xa] =	wrdreg s9  }
0xd6: {  	[dreg:$0xb] =	wrdreg s17  }
0xd7: {  	[dreg:$0xc] =	wrdreg $0xA  }
0xd8: {  	_ =	task.clear_ibuf [dreg:s22], $0xDFFFF;
	_ =	strace $0x90000049  }
0xd9: {  	s29 =	simm.s32 $0xA;
	_ =	strace $0x8000004B  }
0xda: {  	_ =	swait.ge [sflag:s29], $0x1  }
0xdb: {  	[sflag:s29] =	ssyncadd.s32 $0xFFFFFFFF  }
0xdc: {  	_ =	strace $0x9000004B  }
0xdd: {  	_ =	sfence  }
0xde: {  	s30 =	sld [smem:$0x0];
	_ =	sdelay $0x2  }
0xdf: {  	s31 =	sshll.u32 s1, $0xD;
	s1 =	sshrl.u32 s1, $0x2  }
0xe0: {  	s3 =	sand.u32 $0x4000, s31;
	s1 =	sadd.s32 s1, s30  }
0xe1: {  	s0 =	sor.u32 s3, s0;
	s1 =	sshll.u32 s1, $0x11  }
0xe2: {  	s0 =	sor.u32 s1, s0  }
0xe3: {  	s0 =	sadd.s32 $0x8F2B, s0  }
0xe4: {  	[sflag:s0] =	ssyncadd.remote.s32 $0x1  }
0xe5: {  	_ =	sfence.sel $0xFFFF  }
0xe6: {  	[dreg:$0x0] =	wrdreg $0xFFFFFFFF;
	(pc) =	sbr.abs _section_cstart, $3  }
0xe7: {  	[dreg:$0x1] =	wrdreg $0xFFFFFFFF  }
0xe8: {  	_ =	task.clear_ibuf [dreg:s22], $0x2FFFF;
	_ =	strace $0x9FFFFFFF  }
0xe9: {  	(tm) =	ssettm $0x7FFFFFFF  }
tec
execute0_lowered:
.L_overlay_start_1:
0x0: {  	(tag) =	ssettag $0x1  }
0x1: {  	s0 =	rddreg [dreg:$0x0]  }
0x2: {  	s4 =	rddreg [dreg:$0x1]  }
0x3: {  	s9 =	rddreg [dreg:$0x2]  }
0x4: {  	s11 =	rddreg [dreg:$0x3]  }
0x5: {  	s13 =	rddreg [dreg:$0x4]  }
0x6: {  	s15 =	rddreg [dreg:$0x5]  }
0x7: {  	s17 =	rddreg [dreg:$0x6];
	s2 =	srdreg.scid  }
0x8: {  	s19 =	rddreg [dreg:$0x7];
	s1 =	stileid.u32;
	s24 =	sand.u32 $0x1, s2  }
0x9: {  	s21 =	rddreg [dreg:$0x8];
	s31 =	sshll.u32 s1, $0x6;
	s3 =	sshll.u32 s24, $0x5  }
0xa: {  	s23 =	rddreg [dreg:$0x9];
	s10 =	sor.u32 s3, s31  }
0xb: {  	s2 =	rddreg [dreg:$0xa];
	s3 =	simm.s32 $0x0;
	s5 =	sshrl.u32 s10, $0x3  }
0xc: {  	[smem:$0x7FF] =	sst s3;
	s22 =	sadd.s32 s5, s4  }
0xd: {  	_ =	strace $0x8000004A;
	s4 =	simm.s32 $0x2;
	s5 =	sadd.s32 $0x1E00, s22  }
0xe: {  	[tilespmem:s3], [sflag:$0x2] =	stream.linear.gather [hbm4b:s5+s3], $0x20, $0x38;
	[tilespmem:$0x4080] =	vst v63  }
0xf: {  	_ =	swait.ge [sflag:s4], $0x20  }
0x10: {  	s6 =	simm.s32 $0x20;
	[sflag:s4] =	ssyncset.done $0x0  }
0x11: {  	s7 =	simm.s32 $0x80;
	s8 =	simm.s32 $0x1;
	[sflag:s4] =	ssyncadd.s32 $0xFFFFFFE0  }
0x12: {  	[tilespmem:s7], [sflag:$0x1] =	stream.indirect.gather [hbm4b:s0+s6], $0x200, s3, s6, $0xb8;
	[tilespmem:$0x4080] =	vst v63  }
0x13: {  	_ =	swait.ge [sflag:s8], $0x4000  }
0x14: {  	s25 =	sshll.u32 s10, $0x6;
	[sflag:s8] =	ssyncset.done $0x0  }
0x15: {  	s9 =	sadd.s32 s9, s25;
	[sflag:s8] =	ssyncadd.s32 $0xFFFFC000  }
0x16: {  	[hbm4b:s9+s3] =	stream.linear.scatter [tilespmem:s7], [sflag:$0x2], $0x4000, $0x38;
	[tilespmem:$0x4080] =	vst v63  }
0x17: {  	_ =	swait.ge [sflag:s4], $0x4000  }
0x18: {  	[sflag:s4] =	ssyncset.done $0x0  }
0x19: {  	s10 =	sadd.s32 $0x1E80, s22;
	[sflag:s4] =	ssyncadd.s32 $0xFFFFC000  }
0x1a: {  	[tilespmem:s3], [sflag:$0x2] =	stream.linear.gather [hbm4b:s10+s3], $0x20, $0x38;
	[tilespmem:$0x4080] =	vst v63  }
0x1b: {  	_ =	swait.ge [sflag:s4], $0x20  }
0x1c: {  	[sflag:s4] =	ssyncset.done $0x0  }
0x1d: {  	[sflag:s4] =	ssyncadd.s32 $0xFFFFFFE0  }
0x1e: {  	[tilespmem:s7], [sflag:$0x1] =	stream.indirect.gather [hbm4b:s0+s6], $0x200, s3, s6, $0xb8;
	[tilespmem:$0x4080] =	vst v63  }
0x1f: {  	_ =	swait.ge [sflag:s8], $0x4000  }
0x20: {  	[sflag:s8] =	ssyncset.done $0x0  }
0x21: {  	s11 =	sadd.s32 s11, s25;
	[sflag:s8] =	ssyncadd.s32 $0xFFFFC000  }
0x22: {  	[hbm4b:s11+s3] =	stream.linear.scatter [tilespmem:s7], [sflag:$0x2], $0x4000, $0x38;
	[tilespmem:$0x4080] =	vst v63  }
0x23: {  	_ =	swait.ge [sflag:s4], $0x4000  }
0x24: {  	[sflag:s4] =	ssyncset.done $0x0  }
0x25: {  	s12 =	sadd.s32 $0x1F00, s22;
	[sflag:s4] =	ssyncadd.s32 $0xFFFFC000  }
0x26: {  	[tilespmem:s3], [sflag:$0x2] =	stream.linear.gather [hbm4b:s12+s3], $0x20, $0x38;
	[tilespmem:$0x4080] =	vst v63  }
0x27: {  	_ =	swait.ge [sflag:s4], $0x20  }
0x28: {  	[sflag:s4] =	ssyncset.done $0x0  }
0x29: {  	[sflag:s4] =	ssyncadd.s32 $0xFFFFFFE0  }
0x2a: {  	[tilespmem:s7], [sflag:$0x1] =	stream.indirect.gather [hbm4b:s0+s6], $0x200, s3, s6, $0xb8;
	[tilespmem:$0x4080] =	vst v63  }
0x2b: {  	_ =	swait.ge [sflag:s8], $0x4000  }
0x2c: {  	[sflag:s8] =	ssyncset.done $0x0  }
0x2d: {  	s13 =	sadd.s32 s13, s25;
	[sflag:s8] =	ssyncadd.s32 $0xFFFFC000  }
0x2e: {  	[hbm4b:s13+s3] =	stream.linear.scatter [tilespmem:s7], [sflag:$0x2], $0x4000, $0x38;
	[tilespmem:$0x4080] =	vst v63  }
0x2f: {  	_ =	swait.ge [sflag:s4], $0x4000  }
0x30: {  	[sflag:s4] =	ssyncset.done $0x0  }
0x31: {  	s14 =	sadd.s32 $0x1F80, s22;
	[sflag:s4] =	ssyncadd.s32 $0xFFFFC000  }
0x32: {  	[tilespmem:s3], [sflag:$0x2] =	stream.linear.gather [hbm4b:s14+s3], $0x20, $0x38;
	[tilespmem:$0x4080] =	vst v63  }
0x33: {  	_ =	swait.ge [sflag:s4], $0x20  }
0x34: {  	[sflag:s4] =	ssyncset.done $0x0  }
0x35: {  	[sflag:s4] =	ssyncadd.s32 $0xFFFFFFE0  }
0x36: {  	[tilespmem:s7], [sflag:$0x1] =	stream.indirect.gather [hbm4b:s0+s6], $0x200, s3, s6, $0xb8;
	[tilespmem:$0x4080] =	vst v63  }
0x37: {  	_ =	swait.ge [sflag:s8], $0x4000  }
0x38: {  	[sflag:s8] =	ssyncset.done $0x0  }
0x39: {  	s15 =	sadd.s32 s15, s25;
	[sflag:s8] =	ssyncadd.s32 $0xFFFFC000  }
0x3a: {  	[hbm4b:s15+s3] =	stream.linear.scatter [tilespmem:s7], [sflag:$0x2], $0x4000, $0x38;
	[tilespmem:$0x4080] =	vst v63  }
0x3b: {  	_ =	swait.ge [sflag:s4], $0x4000  }
0x3c: {  	[sflag:s4] =	ssyncset.done $0x0  }
0x3d: {  	s16 =	sadd.s32 $0x2000, s22;
	[sflag:s4] =	ssyncadd.s32 $0xFFFFC000  }
0x3e: {  	[tilespmem:s3], [sflag:$0x2] =	stream.linear.gather [hbm4b:s16+s3], $0x20, $0x38;
	[tilespmem:$0x4080] =	vst v63  }
0x3f: {  	_ =	swait.ge [sflag:s4], $0x20  }
0x40: {  	[sflag:s4] =	ssyncset.done $0x0  }
0x41: {  	[sflag:s4] =	ssyncadd.s32 $0xFFFFFFE0  }
0x42: {  	[tilespmem:s7], [sflag:$0x1] =	stream.indirect.gather [hbm4b:s0+s6], $0x200, s3, s6, $0xb8;
	[tilespmem:$0x4080] =	vst v63  }
0x43: {  	_ =	swait.ge [sflag:s8], $0x4000  }
0x44: {  	[sflag:s8] =	ssyncset.done $0x0  }
0x45: {  	s17 =	sadd.s32 s17, s25;
	[sflag:s8] =	ssyncadd.s32 $0xFFFFC000  }
0x46: {  	[hbm4b:s17+s3] =	stream.linear.scatter [tilespmem:s7], [sflag:$0x2], $0x4000, $0x38;
	[tilespmem:$0x4080] =	vst v63  }
0x47: {  	_ =	swait.ge [sflag:s4], $0x4000  }
0x48: {  	[sflag:s4] =	ssyncset.done $0x0  }
0x49: {  	s18 =	sadd.s32 $0x2080, s22;
	[sflag:s4] =	ssyncadd.s32 $0xFFFFC000  }
0x4a: {  	[tilespmem:s3], [sflag:$0x2] =	stream.linear.gather [hbm4b:s18+s3], $0x20, $0x38;
	[tilespmem:$0x4080] =	vst v63  }
0x4b: {  	_ =	swait.ge [sflag:s4], $0x20  }
0x4c: {  	[sflag:s4] =	ssyncset.done $0x0  }
0x4d: {  	[sflag:s4] =	ssyncadd.s32 $0xFFFFFFE0  }
0x4e: {  	[tilespmem:s7], [sflag:$0x1] =	stream.indirect.gather [hbm4b:s0+s6], $0x200, s3, s6, $0xb8;
	[tilespmem:$0x4080] =	vst v63  }
0x4f: {  	_ =	swait.ge [sflag:s8], $0x4000  }
0x50: {  	[sflag:s8] =	ssyncset.done $0x0  }
0x51: {  	s19 =	sadd.s32 s19, s25;
	[sflag:s8] =	ssyncadd.s32 $0xFFFFC000  }
0x52: {  	[hbm4b:s19+s3] =	stream.linear.scatter [tilespmem:s7], [sflag:$0x2], $0x4000, $0x38;
	[tilespmem:$0x4080] =	vst v63  }
0x53: {  	_ =	swait.ge [sflag:s4], $0x4000  }
0x54: {  	[sflag:s4] =	ssyncset.done $0x0  }
0x55: {  	s20 =	sadd.s32 $0x2100, s22;
	[sflag:s4] =	ssyncadd.s32 $0xFFFFC000  }
0x56: {  	[tilespmem:s3], [sflag:$0x2] =	stream.linear.gather [hbm4b:s20+s3], $0x20, $0x38;
	[tilespmem:$0x4080] =	vst v63  }
0x57: {  	_ =	swait.ge [sflag:s4], $0x20  }
0x58: {  	[sflag:s4] =	ssyncset.done $0x0  }
0x59: {  	[sflag:s4] =	ssyncadd.s32 $0xFFFFFFE0  }
0x5a: {  	[tilespmem:s7], [sflag:$0x1] =	stream.indirect.gather [hbm4b:s0+s6], $0x200, s3, s6, $0xb8;
	[tilespmem:$0x4080] =	vst v63  }
0x5b: {  	_ =	swait.ge [sflag:s8], $0x4000  }
0x5c: {  	[sflag:s8] =	ssyncset.done $0x0  }
0x5d: {  	s21 =	sadd.s32 s21, s25;
	[sflag:s8] =	ssyncadd.s32 $0xFFFFC000  }
0x5e: {  	[hbm4b:s21+s3] =	stream.linear.scatter [tilespmem:s7], [sflag:$0x2], $0x4000, $0x38;
	[tilespmem:$0x4080] =	vst v63  }
0x5f: {  	_ =	swait.ge [sflag:s4], $0x4000  }
0x60: {  	[sflag:s4] =	ssyncset.done $0x0  }
0x61: {  	s24 =	ssub.s32 $0x2, s24;
	s22 =	sadd.s32 $0x2180, s22;
	[sflag:s4] =	ssyncadd.s32 $0xFFFFC000  }
0x62: {  	[tilespmem:s3], [sflag:$0x2] =	stream.linear.gather [hbm4b:s22+s3], $0x20, $0x38;
	[tilespmem:$0x4080] =	vst v63  }
0x63: {  	s26 =	sshrl.u32 s24, $0x1;
	_ =	swait.ge [sflag:s4], $0x20  }
0x64: {  	s24 =	ssub.s32 s24, s26;
	[sflag:s4] =	ssyncset.done $0x0  }
0x65: {  	s24 =	smax.u32 s24, $0x1;
	[sflag:s4] =	ssyncadd.s32 $0xFFFFFFE0  }
0x66: {  	[tilespmem:s7], [sflag:$0x1] =	stream.indirect.gather [hbm4b:s0+s6], $0x200, s3, s6, $0xb8;
	[tilespmem:$0x4080] =	vst v63  }
0x67: {  	p0 =	sne.s32 s24, $0x1;
	_ =	swait.ge [sflag:s8], $0x4000  }
.Ltmp0:
0x68: {  	[sflag:s8] =	ssyncset.done $0x0;
	(pc) =	sbr.rel @!p0 .LBB2_2-.Ltmp0, $4  }
0x69: {  	s23 =	sadd.s32 s23, s25;
	[sflag:s8] =	ssyncadd.s32 $0xFFFFC000  }
0x6a: {  	[hbm4b:s23+s3] =	stream.linear.scatter [tilespmem:s7], [sflag:$0x2], $0x4000, $0x38;
	[tilespmem:$0x4080] =	vst v63  }
0x6b: {  	_ =	swait.ge [sflag:s4], $0x4000  }
0x6c: {  	s24 =	sadd.s32 $0xFFFFFFFF, s24;
	[sflag:s4] =	ssyncset.done $0x0  }
.LBB2_1:
0x6d: {  	p0 =	sne.s32 s24, $0x1;
	s24 =	sadd.s32 $0xFFFFFFFF, s24;
	[sflag:s4] =	ssyncadd.s32 $0xFFFFC000  }
0x6e: {  	[tilespmem:s3], [sflag:$0x2] =	stream.linear.gather [hbm4b:s5+s3], $0x20, $0x38;
	[tilespmem:$0x4080] =	vst v63  }
0x6f: {  	_ =	swait.ge [sflag:s4], $0x20  }
0x70: {  	[sflag:s4] =	ssyncset.done $0x0  }
0x71: {  	[sflag:s4] =	ssyncadd.s32 $0xFFFFFFE0  }
0x72: {  	[tilespmem:s7], [sflag:$0x1] =	stream.indirect.gather [hbm4b:s0+s6], $0x200, s3, s6, $0xb8;
	[tilespmem:$0x4080] =	vst v63  }
0x73: {  	_ =	swait.ge [sflag:s8], $0x4000  }
0x74: {  	[sflag:s8] =	ssyncset.done $0x0  }
0x75: {  	[sflag:s8] =	ssyncadd.s32 $0xFFFFC000  }
0x76: {  	[hbm4b:s9+s3] =	stream.linear.scatter [tilespmem:s7], [sflag:$0x2], $0x4000, $0x38;
	[tilespmem:$0x4080] =	vst v63  }
0x77: {  	_ =	swait.ge [sflag:s4], $0x4000  }
0x78: {  	[sflag:s4] =	ssyncset.done $0x0  }
0x79: {  	[sflag:s4] =	ssyncadd.s32 $0xFFFFC000  }
0x7a: {  	[tilespmem:s3], [sflag:$0x2] =	stream.linear.gather [hbm4b:s10+s3], $0x20, $0x38;
	[tilespmem:$0x4080] =	vst v63  }
0x7b: {  	_ =	swait.ge [sflag:s4], $0x20  }
0x7c: {  	[sflag:s4] =	ssyncset.done $0x0  }
0x7d: {  	[sflag:s4] =	ssyncadd.s32 $0xFFFFFFE0  }
0x7e: {  	[tilespmem:s7], [sflag:$0x1] =	stream.indirect.gather [hbm4b:s0+s6], $0x200, s3, s6, $0xb8;
	[tilespmem:$0x4080] =	vst v63  }
0x7f: {  	_ =	swait.ge [sflag:s8], $0x4000  }
0x80: {  	[sflag:s8] =	ssyncset.done $0x0  }
0x81: {  	[sflag:s8] =	ssyncadd.s32 $0xFFFFC000  }
0x82: {  	[hbm4b:s11+s3] =	stream.linear.scatter [tilespmem:s7], [sflag:$0x2], $0x4000, $0x38;
	[tilespmem:$0x4080] =	vst v63  }
0x83: {  	_ =	swait.ge [sflag:s4], $0x4000  }
0x84: {  	[sflag:s4] =	ssyncset.done $0x0  }
0x85: {  	[sflag:s4] =	ssyncadd.s32 $0xFFFFC000  }
0x86: {  	[tilespmem:s3], [sflag:$0x2] =	stream.linear.gather [hbm4b:s12+s3], $0x20, $0x38;
	[tilespmem:$0x4080] =	vst v63  }
0x87: {  	_ =	swait.ge [sflag:s4], $0x20  }
0x88: {  	[sflag:s4] =	ssyncset.done $0x0  }
0x89: {  	[sflag:s4] =	ssyncadd.s32 $0xFFFFFFE0  }
0x8a: {  	[tilespmem:s7], [sflag:$0x1] =	stream.indirect.gather [hbm4b:s0+s6], $0x200, s3, s6, $0xb8;
	[tilespmem:$0x4080] =	vst v63  }
0x8b: {  	_ =	swait.ge [sflag:s8], $0x4000  }
0x8c: {  	[sflag:s8] =	ssyncset.done $0x0  }
0x8d: {  	[sflag:s8] =	ssyncadd.s32 $0xFFFFC000  }
0x8e: {  	[hbm4b:s13+s3] =	stream.linear.scatter [tilespmem:s7], [sflag:$0x2], $0x4000, $0x38;
	[tilespmem:$0x4080] =	vst v63  }
0x8f: {  	_ =	swait.ge [sflag:s4], $0x4000  }
0x90: {  	[sflag:s4] =	ssyncset.done $0x0  }
0x91: {  	[sflag:s4] =	ssyncadd.s32 $0xFFFFC000  }
0x92: {  	[tilespmem:s3], [sflag:$0x2] =	stream.linear.gather [hbm4b:s14+s3], $0x20, $0x38;
	[tilespmem:$0x4080] =	vst v63  }
0x93: {  	_ =	swait.ge [sflag:s4], $0x20  }
0x94: {  	[sflag:s4] =	ssyncset.done $0x0  }
0x95: {  	[sflag:s4] =	ssyncadd.s32 $0xFFFFFFE0  }
0x96: {  	[tilespmem:s7], [sflag:$0x1] =	stream.indirect.gather [hbm4b:s0+s6], $0x200, s3, s6, $0xb8;
	[tilespmem:$0x4080] =	vst v63  }
0x97: {  	_ =	swait.ge [sflag:s8], $0x4000  }
0x98: {  	[sflag:s8] =	ssyncset.done $0x0  }
0x99: {  	[sflag:s8] =	ssyncadd.s32 $0xFFFFC000  }
0x9a: {  	[hbm4b:s15+s3] =	stream.linear.scatter [tilespmem:s7], [sflag:$0x2], $0x4000, $0x38;
	[tilespmem:$0x4080] =	vst v63  }
0x9b: {  	_ =	swait.ge [sflag:s4], $0x4000  }
0x9c: {  	[sflag:s4] =	ssyncset.done $0x0  }
0x9d: {  	[sflag:s4] =	ssyncadd.s32 $0xFFFFC000  }
0x9e: {  	[tilespmem:s3], [sflag:$0x2] =	stream.linear.gather [hbm4b:s16+s3], $0x20, $0x38;
	[tilespmem:$0x4080] =	vst v63  }
0x9f: {  	_ =	swait.ge [sflag:s4], $0x20  }
0xa0: {  	[sflag:s4] =	ssyncset.done $0x0  }
0xa1: {  	[sflag:s4] =	ssyncadd.s32 $0xFFFFFFE0  }
0xa2: {  	[tilespmem:s7], [sflag:$0x1] =	stream.indirect.gather [hbm4b:s0+s6], $0x200, s3, s6, $0xb8;
	[tilespmem:$0x4080] =	vst v63  }
0xa3: {  	_ =	swait.ge [sflag:s8], $0x4000  }
0xa4: {  	[sflag:s8] =	ssyncset.done $0x0  }
0xa5: {  	[sflag:s8] =	ssyncadd.s32 $0xFFFFC000  }
0xa6: {  	[hbm4b:s17+s3] =	stream.linear.scatter [tilespmem:s7], [sflag:$0x2], $0x4000, $0x38;
	[tilespmem:$0x4080] =	vst v63  }
0xa7: {  	_ =	swait.ge [sflag:s4], $0x4000  }
0xa8: {  	[sflag:s4] =	ssyncset.done $0x0  }
0xa9: {  	[sflag:s4] =	ssyncadd.s32 $0xFFFFC000  }
0xaa: {  	[tilespmem:s3], [sflag:$0x2] =	stream.linear.gather [hbm4b:s18+s3], $0x20, $0x38;
	[tilespmem:$0x4080] =	vst v63  }
0xab: {  	_ =	swait.ge [sflag:s4], $0x20  }
0xac: {  	[sflag:s4] =	ssyncset.done $0x0  }
0xad: {  	[sflag:s4] =	ssyncadd.s32 $0xFFFFFFE0  }
0xae: {  	[tilespmem:s7], [sflag:$0x1] =	stream.indirect.gather [hbm4b:s0+s6], $0x200, s3, s6, $0xb8;
	[tilespmem:$0x4080] =	vst v63  }
0xaf: {  	_ =	swait.ge [sflag:s8], $0x4000  }
0xb0: {  	[sflag:s8] =	ssyncset.done $0x0  }
0xb1: {  	[sflag:s8] =	ssyncadd.s32 $0xFFFFC000  }
0xb2: {  	[hbm4b:s19+s3] =	stream.linear.scatter [tilespmem:s7], [sflag:$0x2], $0x4000, $0x38;
	[tilespmem:$0x4080] =	vst v63  }
0xb3: {  	_ =	swait.ge [sflag:s4], $0x4000  }
0xb4: {  	[sflag:s4] =	ssyncset.done $0x0  }
0xb5: {  	[sflag:s4] =	ssyncadd.s32 $0xFFFFC000  }
0xb6: {  	[tilespmem:s3], [sflag:$0x2] =	stream.linear.gather [hbm4b:s20+s3], $0x20, $0x38;
	[tilespmem:$0x4080] =	vst v63  }
0xb7: {  	_ =	swait.ge [sflag:s4], $0x20  }
0xb8: {  	[sflag:s4] =	ssyncset.done $0x0  }
0xb9: {  	[sflag:s4] =	ssyncadd.s32 $0xFFFFFFE0  }
0xba: {  	[tilespmem:s7], [sflag:$0x1] =	stream.indirect.gather [hbm4b:s0+s6], $0x200, s3, s6, $0xb8;
	[tilespmem:$0x4080] =	vst v63  }
0xbb: {  	_ =	swait.ge [sflag:s8], $0x4000  }
0xbc: {  	[sflag:s8] =	ssyncset.done $0x0  }
0xbd: {  	[sflag:s8] =	ssyncadd.s32 $0xFFFFC000  }
0xbe: {  	[hbm4b:s21+s3] =	stream.linear.scatter [tilespmem:s7], [sflag:$0x2], $0x4000, $0x38;
	[tilespmem:$0x4080] =	vst v63  }
0xbf: {  	_ =	swait.ge [sflag:s4], $0x4000  }
0xc0: {  	[sflag:s4] =	ssyncset.done $0x0  }
0xc1: {  	[sflag:s4] =	ssyncadd.s32 $0xFFFFC000  }
0xc2: {  	[tilespmem:s3], [sflag:$0x2] =	stream.linear.gather [hbm4b:s22+s3], $0x20, $0x38;
	[tilespmem:$0x4080] =	vst v63  }
0xc3: {  	_ =	swait.ge [sflag:s4], $0x20  }
0xc4: {  	[sflag:s4] =	ssyncset.done $0x0  }
0xc5: {  	[sflag:s4] =	ssyncadd.s32 $0xFFFFFFE0  }
0xc6: {  	[tilespmem:s7], [sflag:$0x1] =	stream.indirect.gather [hbm4b:s0+s6], $0x200, s3, s6, $0xb8;
	[tilespmem:$0x4080] =	vst v63  }
0xc7: {  	_ =	swait.ge [sflag:s8], $0x4000  }
.Ltmp1:
0xc8: {  	[sflag:s8] =	ssyncset.done $0x0;
	(pc) =	sbr.rel @p0 .LBB2_1-.Ltmp1, $4  }
0xc9: {  	[sflag:s8] =	ssyncadd.s32 $0xFFFFC000  }
0xca: {  	[hbm4b:s23+s3] =	stream.linear.scatter [tilespmem:s7], [sflag:$0x2], $0x4000, $0x38;
	[tilespmem:$0x4080] =	vst v63  }
0xcb: {  	_ =	swait.ge [sflag:s4], $0x4000  }
0xcc: {  	[sflag:s4] =	ssyncset.done $0x0  }
.LBB2_2:
0xcd: {  	[sflag:s4] =	ssyncadd.s32 $0xFFFFC000  }
0xce: {  	_ =	sfence.sel $0x180000  }
0xcf: {  	[bflag:$0x0] =	sbarrier.arrive $0xFFFF  }
0xd0: {  	p0 =	sne.s32 s1, $0x0;
	_ =	strace $0x9000004A  }
0xd1: {  	s0 =	sadd.s32 @!p0 $0x100000, s2;
	[bflag:$0x2] =	sbarrier.arrive $0xFFFF  }
0xd2: {  	[sflag:s0] =	ssyncadd.tile.s32 @!p0 $0x1;
	_ =	shalt  }
.Lfunc_end2:
_tile_overlayer_lowered:
.L_overlay_start_2:
0xd3: {  	(tag) =	ssettag $0x2  }
0xd4: {  	s0 =	rddreg [dreg:$0x0];
	s2 =	stileid.u32  }
0xd5: {  	s1 =	rddreg [dreg:$0x1];
	p0 =	sne.s32 s2, $0x0  }
0xd6: {  	s3 =	rddreg [dreg:$0x2];
	[bflag:$0x3] =	sbarrier.arrive $0xFFFF;
	s2 =	simm.s32 @!p0 $0x1C02  }
0xd7: {  	[timem:s3], [sflag:s2] =	dma.local @!p0 [hbm:s0], s1  }
0xd8: {  	s0 =	simm.s32 @!p0 $0x2  }
0xd9: {  	_ =	swait.ge @!p0 [sflag:s0], s1  }
0xda: {  	s1 =	ssub.s32 @!p0 $0x0, s1;
	[sflag:s0] =	ssyncset.done @!p0 $0x0  }
0xdb: {  	[sflag:s0] =	ssyncadd.s32 @!p0 s1  }
0xdc: {  	[bflag:$0x3] =	sbarrier.arrive $0xFFFF  }
0xdd: {  	_ =	shalt  }

</sc_bundles>
